<compile_context>
chip_gen: v7x
topology: tpu7x:2x2x1
jax: 0.10.2.dev20260603
libtpu: 0.0.44.dev20260713+nightly
codegen_flags: <defaults>
</compile_context>

<pallas_src>
import functools

import jax
import jax.numpy as jnp
from jax import lax
from jax.experimental import pallas as pl
from jax.experimental.pallas import tpu as pltpu
from jax.experimental.pallas import tpu_sc as plsc

_BATCH = 16384
_NC = 2
_NS = 16
_L = 16
_NW = _NC * _NS
_BPW = _BATCH // _NW
_CHUNK = 128
_NCHUNK = _BPW // _CHUNK
_NVEC = _BPW // _L


def _make_sc_kernel():
    mesh = plsc.VectorSubcoreMesh(core_axis_name="c", subcore_axis_name="s")

    @functools.partial(
        pl.kernel,
        mesh=mesh,
        out_type=jax.ShapeDtypeStruct((_NW, _L), jnp.float32),
        scratch_types=[
            pltpu.VMEM((_NCHUNK, _CHUNK), jnp.int32),
            pltpu.VMEM((_NCHUNK, _CHUNK), jnp.float32),
            pltpu.VMEM((_BPW,), jnp.float32),
            pltpu.VMEM((_BPW,), jnp.float32),
            pltpu.VMEM((_L,), jnp.float32),
            pltpu.SemaphoreType.DMA,
        ],
    )
    def trust_loss(ids_hbm, logits_hbm, claims_hbm, gt_hbm, out_hbm,
                   idx_v, gath_v, c_v, g_v, acc_v, sem):
        wid = lax.axis_index("s") * _NC + lax.axis_index("c")
        pltpu.sync_copy(ids_hbm.at[wid], idx_v)
        copies = [
            pltpu.async_copy(logits_hbm.at[idx_v.at[j]], gath_v.at[j], sem)
            for j in range(_NCHUNK)
        ]
        pltpu.sync_copy(claims_hbm.at[wid], c_v)
        pltpu.sync_copy(gt_hbm.at[wid], g_v)
        for cp in copies:
            cp.wait()

        acc = jnp.zeros((_L,), jnp.float32)
        for v in range(_NVEC):
            j, off = divmod(v * _L, _CHUNK)
            x = gath_v[j, pl.ds(off, _L)]
            c = c_v[pl.ds(v * _L, _L)]
            g = g_v[pl.ds(v * _L, _L)]
            t = 1.0 / (1.0 + jnp.exp(-x))
            e = t * (c - 0.5) + (0.5 - g)
            acc = acc + e * e + (0.3 * t) * jnp.abs(c - g)
        acc_v[...] = acc
        pltpu.sync_copy(acc_v, out_hbm.at[wid])

    return trust_loss


_sc_trust_loss = _make_sc_kernel()


def kernel(claims, ground_truths, agent_ids, trust_logits):
    ids = agent_ids.astype(jnp.int32).reshape(_NW, _NCHUNK, _CHUNK)
    c = claims.reshape(_NW, _BPW)
    g = ground_truths.reshape(_NW, _BPW)
    partials = _sc_trust_loss(ids, trust_logits, c, g)
    return jnp.sum(partials) * (1.0 / _BATCH)

# --- scband reference (transcript-rebuilt; emitter-appended) ---
"""Pipeline reference for scband-epistemic-trust-model-30511447670814 (READ-ONLY COPY).

The authoritative reference and input builder live on the scoring server;
editing this copy changes nothing except your own understanding.
"""

import jax, jax.numpy as jnp
import numpy as np

NUM_AGENTS = 1000000
BATCH = 16384

def setup_inputs(seed: int = 0) -> dict:
    key = jax.random.key(seed)
    k1, k2, k3 = jax.random.split(key, 3)
    claims = jax.random.uniform(k1, (BATCH,), dtype=jnp.float32)
    ground_truths = jax.random.uniform(k2, (BATCH,), dtype=jnp.float32)
    agent_ids = jax.random.randint(k3, (BATCH,), 0, NUM_AGENTS, dtype=jnp.int64 if jax.config.read('jax_enable_x64') else jnp.int32)
    trust_logits = jnp.zeros((NUM_AGENTS,), dtype=jnp.float32)
    return {"claims": claims, "ground_truths": ground_truths, "agent_ids": agent_ids, "trust_logits": trust_logits}

def reference(claims, ground_truths, agent_ids, trust_logits):
    # trust = sigmoid(trust_logits)[agent_ids]  (embedding-style gather)
    trust_all = jax.nn.sigmoid(trust_logits)
    trust = jnp.take(trust_all, agent_ids, axis=0)
    agreement = 1.0 - jnp.abs(claims - ground_truths)
    contradiction = trust * (1.0 - agreement)
    predicted_belief = trust * claims + (1.0 - trust) * 0.5
    task_loss = (predicted_belief - ground_truths) ** 2
    return task_loss.mean() + 0.3 * contradiction.mean()

if __name__ == "__main__":
    import jax
    _d = setup_inputs()
    print(jax.jit(kernel)(*tuple(_d.values())))

</pallas_src>

<mosaic_0001>
#map = affine_map<(d0, d1) -> (0, 0, 0)>
#map1 = affine_map<(d0, d1) -> (0)>
#map2 = affine_map<(d0, d1) -> (0, 0)>
module attributes {stable_mosaic.version = 14 : i64} {
  func.func @trust_loss(%arg0: i32, %arg1: i32, %arg2: memref<32x4x128xi32, #tpu.memory_space<hbm>>, %arg3: memref<1000000xf32, #tpu.memory_space<hbm>>, %arg4: memref<32x512xf32, #tpu.memory_space<hbm>>, %arg5: memref<32x512xf32, #tpu.memory_space<hbm>>, %arg6: memref<32x16xf32, #tpu.memory_space<hbm>>, %arg7: memref<4x128xi32, #tpu.memory_space<vmem>>, %arg8: memref<4x128xf32, #tpu.memory_space<vmem>>, %arg9: memref<512xf32, #tpu.memory_space<vmem>>, %arg10: memref<512xf32, #tpu.memory_space<vmem>>, %arg11: memref<16xf32, #tpu.memory_space<vmem>>, %arg12: memref<!tpu.dma_semaphore, #tpu.memory_space<semaphore_mem>>) attributes {dimension_semantics = [#tpu.dimension_semantics<core_parallel>, #tpu.dimension_semantics<subcore_parallel>], iteration_bounds = array<i64: 2, 16>, scalar_prefetch = 0 : i64, scratch_operands = 6 : i64, tpu.core_type = #tpu.core_type<sc_vector_subcore>, window_params = [{transform_indices = #map}, {transform_indices = #map1}, {transform_indices = #map2}, {transform_indices = #map2}, {transform_indices = #map2}]} {
    %mul3A = arith.constant 2 : i32
    %mul3A_0 = arith.muli %arg1, %mul3A : i32
    %add3A = arith.addi %mul3A_0, %arg0 : i32
    "tpu.region"() ({
      %run_scoped3A = tpu.sem_alloc : memref<!tpu.dma_semaphore, #tpu.memory_space<semaphore_mem>>
      %dma_start3A_1293 = arith.constant 0 : i32
      %dma_start3A_1294 = arith.constant 0 : i32
      %dma_start3A_1295 = tpu.memref_slice %arg2[%add3A, %dma_start3A_1293, %dma_start3A_1294] : memref<32x4x128xi32, #tpu.memory_space<hbm>> -> memref<1x4x128xi32, #tpu.memory_space<hbm>>
      %dma_start3A_1296 = tpu.memref_squeeze %dma_start3A_1295 : memref<1x4x128xi32, #tpu.memory_space<hbm>> -> memref<4x128xi32, #tpu.memory_space<hbm>>
      %dma_start3A_1297 = arith.constant 0 : i32
      %dma_start3A_1298 = arith.constant 0 : i32
      %dma_start3A_1299 = tpu.memref_slice %arg2[%add3A, %dma_start3A_1297, %dma_start3A_1298] : memref<32x4x128xi32, #tpu.memory_space<hbm>> -> memref<1x4x128xi32, #tpu.memory_space<hbm>>
      %dma_start3A_1300 = tpu.memref_squeeze %dma_start3A_1299 : memref<1x4x128xi32, #tpu.memory_space<hbm>> -> memref<4x128xi32, #tpu.memory_space<hbm>>
      tpu.enqueue_dma source(%dma_start3A_1300 : memref<4x128xi32, #tpu.memory_space<hbm>>) target(%arg7 : memref<4x128xi32, #tpu.memory_space<vmem>>) target_semaphore(%run_scoped3A : memref<!tpu.dma_semaphore, #tpu.memory_space<semaphore_mem>>)
      %dma_wait3A_1301 = arith.constant 0 : i32
      %dma_wait3A_1302 = arith.constant 0 : i32
      %dma_wait3A_1303 = tpu.memref_slice %arg2[%add3A, %dma_wait3A_1301, %dma_wait3A_1302] : memref<32x4x128xi32, #tpu.memory_space<hbm>> -> memref<1x4x128xi32, #tpu.memory_space<hbm>>
      %dma_wait3A_1304 = tpu.memref_squeeze %dma_wait3A_1303 : memref<1x4x128xi32, #tpu.memory_space<hbm>> -> memref<4x128xi32, #tpu.memory_space<hbm>>
      %dma_wait3A_1305 = arith.constant 0 : i32
      %dma_wait3A_1306 = arith.constant 0 : i32
      %dma_wait3A_1307 = tpu.memref_slice %arg2[%add3A, %dma_wait3A_1305, %dma_wait3A_1306] : memref<32x4x128xi32, #tpu.memory_space<hbm>> -> memref<1x4x128xi32, #tpu.memory_space<hbm>>
      %dma_wait3A_1308 = tpu.memref_squeeze %dma_wait3A_1307 : memref<1x4x128xi32, #tpu.memory_space<hbm>> -> memref<4x128xi32, #tpu.memory_space<hbm>>
      tpu.wait_dma2 semaphore(%run_scoped3A : memref<!tpu.dma_semaphore, #tpu.memory_space<semaphore_mem>>) src(%dma_wait3A_1308 : memref<4x128xi32, #tpu.memory_space<hbm>>) dst(%arg7 : memref<4x128xi32, #tpu.memory_space<vmem>>)
      tpu.yield
    }) : () -> ()
    %dma_start3A = arith.constant 0 : i32
    %dma_start3A_1 = arith.constant 0 : i32
    %dma_start3A_2 = arith.constant 0 : i32
    %dma_start3A_3 = tpu.memref_slice %arg8[%dma_start3A_1, %dma_start3A_2] : memref<4x128xf32, #tpu.memory_space<vmem>> -> memref<1x128xf32, #tpu.memory_space<vmem>>
    %dma_start3A_4 = tpu.memref_squeeze %dma_start3A_3 : memref<1x128xf32, #tpu.memory_space<vmem>> -> memref<128xf32, #tpu.memory_space<vmem>>
    %dma_start3A_5 = arith.constant 0 : i32
    %dma_start3A_6 = tpu.memref_slice %arg7[%dma_start3A, %dma_start3A_5] : memref<4x128xi32, #tpu.memory_space<vmem>> -> memref<1x128xi32, #tpu.memory_space<vmem>>
    %dma_start3A_7 = tpu.memref_squeeze %dma_start3A_6 : memref<1x128xi32, #tpu.memory_space<vmem>> -> memref<128xi32, #tpu.memory_space<vmem>>
    %dma_start3A_8 = arith.constant 0 : i32
    %dma_start3A_9 = tpu.memref_slice %arg3[%dma_start3A_8] : memref<1000000xf32, #tpu.memory_space<hbm>> -> memref<1000000xf32, #tpu.memory_space<hbm>>
    tpu.enqueue_indirect_dma source(%dma_start3A_9 : memref<1000000xf32, #tpu.memory_space<hbm>>) target(%dma_start3A_4 : memref<128xf32, #tpu.memory_space<vmem>>) offsets(%dma_start3A_7 : memref<128xi32, #tpu.memory_space<vmem>>) semaphore(%arg12 : memref<!tpu.dma_semaphore, #tpu.memory_space<semaphore_mem>>)
    %dma_start3A_10 = arith.constant 1 : i32
    %dma_start3A_11 = arith.constant 1 : i32
    %dma_start3A_12 = arith.constant 0 : i32
    %dma_start3A_13 = tpu.memref_slice %arg8[%dma_start3A_11, %dma_start3A_12] : memref<4x128xf32, #tpu.memory_space<vmem>> -> memref<1x128xf32, #tpu.memory_space<vmem>>
    %dma_start3A_14 = tpu.memref_squeeze %dma_start3A_13 : memref<1x128xf32, #tpu.memory_space<vmem>> -> memref<128xf32, #tpu.memory_space<vmem>>
    %dma_start3A_15 = arith.constant 0 : i32
    %dma_start3A_16 = tpu.memref_slice %arg7[%dma_start3A_10, %dma_start3A_15] : memref<4x128xi32, #tpu.memory_space<vmem>> -> memref<1x128xi32, #tpu.memory_space<vmem>>
    %dma_start3A_17 = tpu.memref_squeeze %dma_start3A_16 : memref<1x128xi32, #tpu.memory_space<vmem>> -> memref<128xi32, #tpu.memory_space<vmem>>
    %dma_start3A_18 = arith.constant 0 : i32
    %dma_start3A_19 = tpu.memref_slice %arg3[%dma_start3A_18] : memref<1000000xf32, #tpu.memory_space<hbm>> -> memref<1000000xf32, #tpu.memory_space<hbm>>
    tpu.enqueue_indirect_dma source(%dma_start3A_19 : memref<1000000xf32, #tpu.memory_space<hbm>>) target(%dma_start3A_14 : memref<128xf32, #tpu.memory_space<vmem>>) offsets(%dma_start3A_17 : memref<128xi32, #tpu.memory_space<vmem>>) semaphore(%arg12 : memref<!tpu.dma_semaphore, #tpu.memory_space<semaphore_mem>>)
    %dma_start3A_20 = arith.constant 2 : i32
    %dma_start3A_21 = arith.constant 2 : i32
    %dma_start3A_22 = arith.constant 0 : i32
    %dma_start3A_23 = tpu.memref_slice %arg8[%dma_start3A_21, %dma_start3A_22] : memref<4x128xf32, #tpu.memory_space<vmem>> -> memref<1x128xf32, #tpu.memory_space<vmem>>
    %dma_start3A_24 = tpu.memref_squeeze %dma_start3A_23 : memref<1x128xf32, #tpu.memory_space<vmem>> -> memref<128xf32, #tpu.memory_space<vmem>>
    %dma_start3A_25 = arith.constant 0 : i32
    %dma_start3A_26 = tpu.memref_slice %arg7[%dma_start3A_20, %dma_start3A_25] : memref<4x128xi32, #tpu.memory_space<vmem>> -> memref<1x128xi32, #tpu.memory_space<vmem>>
    %dma_start3A_27 = tpu.memref_squeeze %dma_start3A_26 : memref<1x128xi32, #tpu.memory_space<vmem>> -> memref<128xi32, #tpu.memory_space<vmem>>
    %dma_start3A_28 = arith.constant 0 : i32
    %dma_start3A_29 = tpu.memref_slice %arg3[%dma_start3A_28] : memref<1000000xf32, #tpu.memory_space<hbm>> -> memref<1000000xf32, #tpu.memory_space<hbm>>
    tpu.enqueue_indirect_dma source(%dma_start3A_29 : memref<1000000xf32, #tpu.memory_space<hbm>>) target(%dma_start3A_24 : memref<128xf32, #tpu.memory_space<vmem>>) offsets(%dma_start3A_27 : memref<128xi32, #tpu.memory_space<vmem>>) semaphore(%arg12 : memref<!tpu.dma_semaphore, #tpu.memory_space<semaphore_mem>>)
    %dma_start3A_30 = arith.constant 3 : i32
    %dma_start3A_31 = arith.constant 3 : i32
    %dma_start3A_32 = arith.constant 0 : i32
    %dma_start3A_33 = tpu.memref_slice %arg8[%dma_start3A_31, %dma_start3A_32] : memref<4x128xf32, #tpu.memory_space<vmem>> -> memref<1x128xf32, #tpu.memory_space<vmem>>
    %dma_start3A_34 = tpu.memref_squeeze %dma_start3A_33 : memref<1x128xf32, #tpu.memory_space<vmem>> -> memref<128xf32, #tpu.memory_space<vmem>>
    %dma_start3A_35 = arith.constant 0 : i32
    %dma_start3A_36 = tpu.memref_slice %arg7[%dma_start3A_30, %dma_start3A_35] : memref<4x128xi32, #tpu.memory_space<vmem>> -> memref<1x128xi32, #tpu.memory_space<vmem>>
    %dma_start3A_37 = tpu.memref_squeeze %dma_start3A_36 : memref<1x128xi32, #tpu.memory_space<vmem>> -> memref<128xi32, #tpu.memory_space<vmem>>
    %dma_start3A_38 = arith.constant 0 : i32
    %dma_start3A_39 = tpu.memref_slice %arg3[%dma_start3A_38] : memref<1000000xf32, #tpu.memory_space<hbm>> -> memref<1000000xf32, #tpu.memory_space<hbm>>
    tpu.enqueue_indirect_dma source(%dma_start3A_39 : memref<1000000xf32, #tpu.memory_space<hbm>>) target(%dma_start3A_34 : memref<128xf32, #tpu.memory_space<vmem>>) offsets(%dma_start3A_37 : memref<128xi32, #tpu.memory_space<vmem>>) semaphore(%arg12 : memref<!tpu.dma_semaphore, #tpu.memory_space<semaphore_mem>>)
    "tpu.region"() ({
      %run_scoped3A = tpu.sem_alloc : memref<!tpu.dma_semaphore, #tpu.memory_space<semaphore_mem>>
      %dma_start3A_1293 = arith.constant 0 : i32
      %dma_start3A_1294 = tpu.memref_slice %arg4[%add3A, %dma_start3A_1293] : memref<32x512xf32, #tpu.memory_space<hbm>> -> memref<1x512xf32, #tpu.memory_space<hbm>>
      %dma_start3A_1295 = tpu.memref_squeeze %dma_start3A_1294 : memref<1x512xf32, #tpu.memory_space<hbm>> -> memref<512xf32, #tpu.memory_space<hbm>>
      %dma_start3A_1296 = arith.constant 0 : i32
      %dma_start3A_1297 = tpu.memref_slice %arg4[%add3A, %dma_start3A_1296] : memref<32x512xf32, #tpu.memory_space<hbm>> -> memref<1x512xf32, #tpu.memory_space<hbm>>
      %dma_start3A_1298 = tpu.memref_squeeze %dma_start3A_1297 : memref<1x512xf32, #tpu.memory_space<hbm>> -> memref<512xf32, #tpu.memory_space<hbm>>
      tpu.enqueue_dma source(%dma_start3A_1298 : memref<512xf32, #tpu.memory_space<hbm>>) target(%arg9 : memref<512xf32, #tpu.memory_space<vmem>>) target_semaphore(%run_scoped3A : memref<!tpu.dma_semaphore, #tpu.memory_space<semaphore_mem>>)
      %dma_wait3A_1299 = arith.constant 0 : i32
      %dma_wait3A_1300 = tpu.memref_slice %arg4[%add3A, %dma_wait3A_1299] : memref<32x512xf32, #tpu.memory_space<hbm>> -> memref<1x512xf32, #tpu.memory_space<hbm>>
      %dma_wait3A_1301 = tpu.memref_squeeze %dma_wait3A_1300 : memref<1x512xf32, #tpu.memory_space<hbm>> -> memref<512xf32, #tpu.memory_space<hbm>>
      %dma_wait3A_1302 = arith.constant 0 : i32
      %dma_wait3A_1303 = tpu.memref_slice %arg4[%add3A, %dma_wait3A_1302] : memref<32x512xf32, #tpu.memory_space<hbm>> -> memref<1x512xf32, #tpu.memory_space<hbm>>
      %dma_wait3A_1304 = tpu.memref_squeeze %dma_wait3A_1303 : memref<1x512xf32, #tpu.memory_space<hbm>> -> memref<512xf32, #tpu.memory_space<hbm>>
      tpu.wait_dma2 semaphore(%run_scoped3A : memref<!tpu.dma_semaphore, #tpu.memory_space<semaphore_mem>>) src(%dma_wait3A_1304 : memref<512xf32, #tpu.memory_space<hbm>>) dst(%arg9 : memref<512xf32, #tpu.memory_space<vmem>>)
      tpu.yield
    }) : () -> ()
    "tpu.region"() ({
      %run_scoped3A = tpu.sem_alloc : memref<!tpu.dma_semaphore, #tpu.memory_space<semaphore_mem>>
      %dma_start3A_1293 = arith.constant 0 : i32
      %dma_start3A_1294 = tpu.memref_slice %arg5[%add3A, %dma_start3A_1293] : memref<32x512xf32, #tpu.memory_space<hbm>> -> memref<1x512xf32, #tpu.memory_space<hbm>>
      %dma_start3A_1295 = tpu.memref_squeeze %dma_start3A_1294 : memref<1x512xf32, #tpu.memory_space<hbm>> -> memref<512xf32, #tpu.memory_space<hbm>>
      %dma_start3A_1296 = arith.constant 0 : i32
      %dma_start3A_1297 = tpu.memref_slice %arg5[%add3A, %dma_start3A_1296] : memref<32x512xf32, #tpu.memory_space<hbm>> -> memref<1x512xf32, #tpu.memory_space<hbm>>
      %dma_start3A_1298 = tpu.memref_squeeze %dma_start3A_1297 : memref<1x512xf32, #tpu.memory_space<hbm>> -> memref<512xf32, #tpu.memory_space<hbm>>
      tpu.enqueue_dma source(%dma_start3A_1298 : memref<512xf32, #tpu.memory_space<hbm>>) target(%arg10 : memref<512xf32, #tpu.memory_space<vmem>>) target_semaphore(%run_scoped3A : memref<!tpu.dma_semaphore, #tpu.memory_space<semaphore_mem>>)
      %dma_wait3A_1299 = arith.constant 0 : i32
      %dma_wait3A_1300 = tpu.memref_slice %arg5[%add3A, %dma_wait3A_1299] : memref<32x512xf32, #tpu.memory_space<hbm>> -> memref<1x512xf32, #tpu.memory_space<hbm>>
      %dma_wait3A_1301 = tpu.memref_squeeze %dma_wait3A_1300 : memref<1x512xf32, #tpu.memory_space<hbm>> -> memref<512xf32, #tpu.memory_space<hbm>>
      %dma_wait3A_1302 = arith.constant 0 : i32
      %dma_wait3A_1303 = tpu.memref_slice %arg5[%add3A, %dma_wait3A_1302] : memref<32x512xf32, #tpu.memory_space<hbm>> -> memref<1x512xf32, #tpu.memory_space<hbm>>
      %dma_wait3A_1304 = tpu.memref_squeeze %dma_wait3A_1303 : memref<1x512xf32, #tpu.memory_space<hbm>> -> memref<512xf32, #tpu.memory_space<hbm>>
      tpu.wait_dma2 semaphore(%run_scoped3A : memref<!tpu.dma_semaphore, #tpu.memory_space<semaphore_mem>>) src(%dma_wait3A_1304 : memref<512xf32, #tpu.memory_space<hbm>>) dst(%arg10 : memref<512xf32, #tpu.memory_space<vmem>>)
      tpu.yield
    }) : () -> ()
    %dma_wait3A = arith.constant 0 : i32
    %dma_wait3A_40 = arith.constant 0 : i32
    %dma_wait3A_41 = arith.constant 0 : i32
    %dma_wait3A_42 = tpu.memref_slice %arg8[%dma_wait3A_40, %dma_wait3A_41] : memref<4x128xf32, #tpu.memory_space<vmem>> -> memref<1x128xf32, #tpu.memory_space<vmem>>
    %dma_wait3A_43 = tpu.memref_squeeze %dma_wait3A_42 : memref<1x128xf32, #tpu.memory_space<vmem>> -> memref<128xf32, #tpu.memory_space<vmem>>
    %dma_wait3A_44 = arith.constant 0 : i32
    %dma_wait3A_45 = tpu.memref_slice %arg7[%dma_wait3A, %dma_wait3A_44] : memref<4x128xi32, #tpu.memory_space<vmem>> -> memref<1x128xi32, #tpu.memory_space<vmem>>
    %dma_wait3A_46 = tpu.memref_squeeze %dma_wait3A_45 : memref<1x128xi32, #tpu.memory_space<vmem>> -> memref<128xi32, #tpu.memory_space<vmem>>
    %dma_wait3A_47 = arith.constant 0 : i32
    %dma_wait3A_48 = tpu.memref_slice %arg3[%dma_wait3A_47] : memref<1000000xf32, #tpu.memory_space<hbm>> -> memref<1000000xf32, #tpu.memory_space<hbm>>
    tpu.wait_indirect_dma semaphore(%arg12 : memref<!tpu.dma_semaphore, #tpu.memory_space<semaphore_mem>>) src(%dma_wait3A_48 : memref<1000000xf32, #tpu.memory_space<hbm>>) dst(%dma_wait3A_43 : memref<128xf32, #tpu.memory_space<vmem>>)
    %dma_wait3A_49 = arith.constant 1 : i32
    %dma_wait3A_50 = arith.constant 1 : i32
    %dma_wait3A_51 = arith.constant 0 : i32
    %dma_wait3A_52 = tpu.memref_slice %arg8[%dma_wait3A_50, %dma_wait3A_51] : memref<4x128xf32, #tpu.memory_space<vmem>> -> memref<1x128xf32, #tpu.memory_space<vmem>>
    %dma_wait3A_53 = tpu.memref_squeeze %dma_wait3A_52 : memref<1x128xf32, #tpu.memory_space<vmem>> -> memref<128xf32, #tpu.memory_space<vmem>>
    %dma_wait3A_54 = arith.constant 0 : i32
    %dma_wait3A_55 = tpu.memref_slice %arg7[%dma_wait3A_49, %dma_wait3A_54] : memref<4x128xi32, #tpu.memory_space<vmem>> -> memref<1x128xi32, #tpu.memory_space<vmem>>
    %dma_wait3A_56 = tpu.memref_squeeze %dma_wait3A_55 : memref<1x128xi32, #tpu.memory_space<vmem>> -> memref<128xi32, #tpu.memory_space<vmem>>
    %dma_wait3A_57 = arith.constant 0 : i32
    %dma_wait3A_58 = tpu.memref_slice %arg3[%dma_wait3A_57] : memref<1000000xf32, #tpu.memory_space<hbm>> -> memref<1000000xf32, #tpu.memory_space<hbm>>
    tpu.wait_indirect_dma semaphore(%arg12 : memref<!tpu.dma_semaphore, #tpu.memory_space<semaphore_mem>>) src(%dma_wait3A_58 : memref<1000000xf32, #tpu.memory_space<hbm>>) dst(%dma_wait3A_53 : memref<128xf32, #tpu.memory_space<vmem>>)
    %dma_wait3A_59 = arith.constant 2 : i32
    %dma_wait3A_60 = arith.constant 2 : i32
    %dma_wait3A_61 = arith.constant 0 : i32
    %dma_wait3A_62 = tpu.memref_slice %arg8[%dma_wait3A_60, %dma_wait3A_61] : memref<4x128xf32, #tpu.memory_space<vmem>> -> memref<1x128xf32, #tpu.memory_space<vmem>>
    %dma_wait3A_63 = tpu.memref_squeeze %dma_wait3A_62 : memref<1x128xf32, #tpu.memory_space<vmem>> -> memref<128xf32, #tpu.memory_space<vmem>>
    %dma_wait3A_64 = arith.constant 0 : i32
    %dma_wait3A_65 = tpu.memref_slice %arg7[%dma_wait3A_59, %dma_wait3A_64] : memref<4x128xi32, #tpu.memory_space<vmem>> -> memref<1x128xi32, #tpu.memory_space<vmem>>
    %dma_wait3A_66 = tpu.memref_squeeze %dma_wait3A_65 : memref<1x128xi32, #tpu.memory_space<vmem>> -> memref<128xi32, #tpu.memory_space<vmem>>
    %dma_wait3A_67 = arith.constant 0 : i32
    %dma_wait3A_68 = tpu.memref_slice %arg3[%dma_wait3A_67] : memref<1000000xf32, #tpu.memory_space<hbm>> -> memref<1000000xf32, #tpu.memory_space<hbm>>
    tpu.wait_indirect_dma semaphore(%arg12 : memref<!tpu.dma_semaphore, #tpu.memory_space<semaphore_mem>>) src(%dma_wait3A_68 : memref<1000000xf32, #tpu.memory_space<hbm>>) dst(%dma_wait3A_63 : memref<128xf32, #tpu.memory_space<vmem>>)
    %dma_wait3A_69 = arith.constant 3 : i32
    %dma_wait3A_70 = arith.constant 3 : i32
    %dma_wait3A_71 = arith.constant 0 : i32
    %dma_wait3A_72 = tpu.memref_slice %arg8[%dma_wait3A_70, %dma_wait3A_71] : memref<4x128xf32, #tpu.memory_space<vmem>> -> memref<1x128xf32, #tpu.memory_space<vmem>>
    %dma_wait3A_73 = tpu.memref_squeeze %dma_wait3A_72 : memref<1x128xf32, #tpu.memory_space<vmem>> -> memref<128xf32, #tpu.memory_space<vmem>>
    %dma_wait3A_74 = arith.constant 0 : i32
    %dma_wait3A_75 = tpu.memref_slice %arg7[%dma_wait3A_69, %dma_wait3A_74] : memref<4x128xi32, #tpu.memory_space<vmem>> -> memref<1x128xi32, #tpu.memory_space<vmem>>
    %dma_wait3A_76 = tpu.memref_squeeze %dma_wait3A_75 : memref<1x128xi32, #tpu.memory_space<vmem>> -> memref<128xi32, #tpu.memory_space<vmem>>
    %dma_wait3A_77 = arith.constant 0 : i32
    %dma_wait3A_78 = tpu.memref_slice %arg3[%dma_wait3A_77] : memref<1000000xf32, #tpu.memory_space<hbm>> -> memref<1000000xf32, #tpu.memory_space<hbm>>
    tpu.wait_indirect_dma semaphore(%arg12 : memref<!tpu.dma_semaphore, #tpu.memory_space<semaphore_mem>>) src(%dma_wait3A_78 : memref<1000000xf32, #tpu.memory_space<hbm>>) dst(%dma_wait3A_73 : memref<128xf32, #tpu.memory_space<vmem>>)
    %broadcast_in_dim3A = arith.constant 0.000000e+00 : f32
    %broadcast_in_dim3A_79 = vector.broadcast %broadcast_in_dim3A : f32 to vector<16xf32>
    %get3A = arith.constant 0 : i32
    %get3A_80 = arith.index_cast %get3A : i32 to index
    %get3A_81 = arith.constant 0 : index
    %get3A_82 = tpu.vector_load %arg8[%get3A_80, %get3A_81] {strides = array<i32>} : memref<4x128xf32, #tpu.memory_space<vmem>>, vector<1x16xf32>,
    %get3A_83 = vector.shape_cast %get3A_82 : vector<1x16xf32> to vector<16xf32>
    %get3A_84 = arith.constant 0 : index
    %get3A_85 = tpu.vector_load %arg9[%get3A_84] {strides = array<i32>} : memref<512xf32, #tpu.memory_space<vmem>>, vector<16xf32>,
    %get3A_86 = vector.shape_cast %get3A_85 : vector<16xf32> to vector<16xf32>
    %get3A_87 = arith.constant 0 : index
    %get3A_88 = tpu.vector_load %arg10[%get3A_87] {strides = array<i32>} : memref<512xf32, #tpu.memory_space<vmem>>, vector<16xf32>,
    %get3A_89 = vector.shape_cast %get3A_88 : vector<16xf32> to vector<16xf32>
    %neg3A = arith.constant 0.000000e+00 : f32
    %neg3A_90 = vector.broadcast %neg3A : f32 to vector<16xf32>
    %neg3A_91 = arith.subf %neg3A_90, %get3A_83 : vector<16xf32>
    %exp3A = math.exp %neg3A_91 : vector<16xf32>
    %add3A_92 = arith.constant 1.000000e+00 : f32
    %add3A_93 = vector.broadcast %add3A_92 : f32 to vector<16xf32>
    %add3A_94 = arith.addf %add3A_93, %exp3A : vector<16xf32>
    %div3A = arith.constant 1.000000e+00 : f32
    %div3A_95 = vector.broadcast %div3A : f32 to vector<16xf32>
    %div3A_96 = arith.divf %div3A_95, %add3A_94 : vector<16xf32>
    %sub3A = arith.constant 5.000000e-01 : f32
    %sub3A_97 = vector.broadcast %sub3A : f32 to vector<16xf32>
    %sub3A_98 = arith.subf %get3A_86, %sub3A_97 : vector<16xf32>
    %mul3A_99 = arith.mulf %div3A_96, %sub3A_98 : vector<16xf32>
    %sub3A_100 = arith.constant 5.000000e-01 : f32
    %sub3A_101 = vector.broadcast %sub3A_100 : f32 to vector<16xf32>
    %sub3A_102 = arith.subf %sub3A_101, %get3A_89 : vector<16xf32>
    %add3A_103 = arith.addf %mul3A_99, %sub3A_102 : vector<16xf32>
    %mul3A_104 = arith.mulf %add3A_103, %add3A_103 : vector<16xf32>
    %add3A_105 = arith.addf %broadcast_in_dim3A_79, %mul3A_104 : vector<16xf32>
    %mul3A_106 = arith.constant 3.000000e-01 : f32
    %mul3A_107 = vector.broadcast %mul3A_106 : f32 to vector<16xf32>
    %mul3A_108 = arith.mulf %mul3A_107, %div3A_96 : vector<16xf32>
    %sub3A_109 = arith.subf %get3A_86, %get3A_89 : vector<16xf32>
    %abs3A = math.absf %sub3A_109 : vector<16xf32>
    %mul3A_110 = arith.mulf %mul3A_108, %abs3A : vector<16xf32>
    %add3A_111 = arith.addf %add3A_105, %mul3A_110 : vector<16xf32>
    %get3A_112 = arith.constant 0 : i32
    %get3A_113 = arith.index_cast %get3A_112 : i32 to index
    %get3A_114 = arith.constant 16 : index
    %get3A_115 = tpu.vector_load %arg8[%get3A_113, %get3A_114] {strides = array<i32>} : memref<4x128xf32, #tpu.memory_space<vmem>>, vector<1x16xf32>,
    %get3A_116 = vector.shape_cast %get3A_115 : vector<1x16xf32> to vector<16xf32>
    %get3A_117 = arith.constant 16 : index
    %get3A_118 = tpu.vector_load %arg9[%get3A_117] {strides = array<i32>} : memref<512xf32, #tpu.memory_space<vmem>>, vector<16xf32>,
    %get3A_119 = vector.shape_cast %get3A_118 : vector<16xf32> to vector<16xf32>
    %get3A_120 = arith.constant 16 : index
    %get3A_121 = tpu.vector_load %arg10[%get3A_120] {strides = array<i32>} : memref<512xf32, #tpu.memory_space<vmem>>, vector<16xf32>,
    %get3A_122 = vector.shape_cast %get3A_121 : vector<16xf32> to vector<16xf32>
    %neg3A_123 = arith.constant 0.000000e+00 : f32
    %neg3A_124 = vector.broadcast %neg3A_123 : f32 to vector<16xf32>
    %neg3A_125 = arith.subf %neg3A_124, %get3A_116 : vector<16xf32>
    %exp3A_126 = math.exp %neg3A_125 : vector<16xf32>
    %add3A_127 = arith.constant 1.000000e+00 : f32
    %add3A_128 = vector.broadcast %add3A_127 : f32 to vector<16xf32>
    %add3A_129 = arith.addf %add3A_128, %exp3A_126 : vector<16xf32>
    %div3A_130 = arith.constant 1.000000e+00 : f32
    %div3A_131 = vector.broadcast %div3A_130 : f32 to vector<16xf32>
    %div3A_132 = arith.divf %div3A_131, %add3A_129 : vector<16xf32>
    %sub3A_133 = arith.constant 5.000000e-01 : f32
    %sub3A_134 = vector.broadcast %sub3A_133 : f32 to vector<16xf32>
    %sub3A_135 = arith.subf %get3A_119, %sub3A_134 : vector<16xf32>
    %mul3A_136 = arith.mulf %div3A_132, %sub3A_135 : vector<16xf32>
    %sub3A_137 = arith.constant 5.000000e-01 : f32
    %sub3A_138 = vector.broadcast %sub3A_137 : f32 to vector<16xf32>
    %sub3A_139 = arith.subf %sub3A_138, %get3A_122 : vector<16xf32>
    %add3A_140 = arith.addf %mul3A_136, %sub3A_139 : vector<16xf32>
    %mul3A_141 = arith.mulf %add3A_140, %add3A_140 : vector<16xf32>
    %add3A_142 = arith.addf %add3A_111, %mul3A_141 : vector<16xf32>
    %mul3A_143 = arith.constant 3.000000e-01 : f32
    %mul3A_144 = vector.broadcast %mul3A_143 : f32 to vector<16xf32>
    %mul3A_145 = arith.mulf %mul3A_144, %div3A_132 : vector<16xf32>
    %sub3A_146 = arith.subf %get3A_119, %get3A_122 : vector<16xf32>
    %abs3A_147 = math.absf %sub3A_146 : vector<16xf32>
    %mul3A_148 = arith.mulf %mul3A_145, %abs3A_147 : vector<16xf32>
    %add3A_149 = arith.addf %add3A_142, %mul3A_148 : vector<16xf32>
    %get3A_150 = arith.constant 0 : i32
    %get3A_151 = arith.index_cast %get3A_150 : i32 to index
    %get3A_152 = arith.constant 32 : index
    %get3A_153 = tpu.vector_load %arg8[%get3A_151, %get3A_152] {strides = array<i32>} : memref<4x128xf32, #tpu.memory_space<vmem>>, vector<1x16xf32>,
    %get3A_154 = vector.shape_cast %get3A_153 : vector<1x16xf32> to vector<16xf32>
    %get3A_155 = arith.constant 32 : index
    %get3A_156 = tpu.vector_load %arg9[%get3A_155] {strides = array<i32>} : memref<512xf32, #tpu.memory_space<vmem>>, vector<16xf32>,
    %get3A_157 = vector.shape_cast %get3A_156 : vector<16xf32> to vector<16xf32>
    %get3A_158 = arith.constant 32 : index
    %get3A_159 = tpu.vector_load %arg10[%get3A_158] {strides = array<i32>} : memref<512xf32, #tpu.memory_space<vmem>>, vector<16xf32>,
    %get3A_160 = vector.shape_cast %get3A_159 : vector<16xf32> to vector<16xf32>
    %neg3A_161 = arith.constant 0.000000e+00 : f32
    %neg3A_162 = vector.broadcast %neg3A_161 : f32 to vector<16xf32>
    %neg3A_163 = arith.subf %neg3A_162, %get3A_154 : vector<16xf32>
    %exp3A_164 = math.exp %neg3A_163 : vector<16xf32>
    %add3A_165 = arith.constant 1.000000e+00 : f32
    %add3A_166 = vector.broadcast %add3A_165 : f32 to vector<16xf32>
    %add3A_167 = arith.addf %add3A_166, %exp3A_164 : vector<16xf32>
    %div3A_168 = arith.constant 1.000000e+00 : f32
    %div3A_169 = vector.broadcast %div3A_168 : f32 to vector<16xf32>
    %div3A_170 = arith.divf %div3A_169, %add3A_167 : vector<16xf32>
    %sub3A_171 = arith.constant 5.000000e-01 : f32
    %sub3A_172 = vector.broadcast %sub3A_171 : f32 to vector<16xf32>
    %sub3A_173 = arith.subf %get3A_157, %sub3A_172 : vector<16xf32>
    %mul3A_174 = arith.mulf %div3A_170, %sub3A_173 : vector<16xf32>
    %sub3A_175 = arith.constant 5.000000e-01 : f32
    %sub3A_176 = vector.broadcast %sub3A_175 : f32 to vector<16xf32>
    %sub3A_177 = arith.subf %sub3A_176, %get3A_160 : vector<16xf32>
    %add3A_178 = arith.addf %mul3A_174, %sub3A_177 : vector<16xf32>
    %mul3A_179 = arith.mulf %add3A_178, %add3A_178 : vector<16xf32>
    %add3A_180 = arith.addf %add3A_149, %mul3A_179 : vector<16xf32>
    %mul3A_181 = arith.constant 3.000000e-01 : f32
    %mul3A_182 = vector.broadcast %mul3A_181 : f32 to vector<16xf32>
    %mul3A_183 = arith.mulf %mul3A_182, %div3A_170 : vector<16xf32>
    %sub3A_184 = arith.subf %get3A_157, %get3A_160 : vector<16xf32>
    %abs3A_185 = math.absf %sub3A_184 : vector<16xf32>
    %mul3A_186 = arith.mulf %mul3A_183, %abs3A_185 : vector<16xf32>
    %add3A_187 = arith.addf %add3A_180, %mul3A_186 : vector<16xf32>
    %get3A_188 = arith.constant 0 : i32
    %get3A_189 = arith.index_cast %get3A_188 : i32 to index
    %get3A_190 = arith.constant 48 : index
    %get3A_191 = tpu.vector_load %arg8[%get3A_189, %get3A_190] {strides = array<i32>} : memref<4x128xf32, #tpu.memory_space<vmem>>, vector<1x16xf32>,
    %get3A_192 = vector.shape_cast %get3A_191 : vector<1x16xf32> to vector<16xf32>
    %get3A_193 = arith.constant 48 : index
    %get3A_194 = tpu.vector_load %arg9[%get3A_193] {strides = array<i32>} : memref<512xf32, #tpu.memory_space<vmem>>, vector<16xf32>,
    %get3A_195 = vector.shape_cast %get3A_194 : vector<16xf32> to vector<16xf32>
    %get3A_196 = arith.constant 48 : index
    %get3A_197 = tpu.vector_load %arg10[%get3A_196] {strides = array<i32>} : memref<512xf32, #tpu.memory_space<vmem>>, vector<16xf32>,
    %get3A_198 = vector.shape_cast %get3A_197 : vector<16xf32> to vector<16xf32>
    %neg3A_199 = arith.constant 0.000000e+00 : f32
    %neg3A_200 = vector.broadcast %neg3A_199 : f32 to vector<16xf32>
    %neg3A_201 = arith.subf %neg3A_200, %get3A_192 : vector<16xf32>
    %exp3A_202 = math.exp %neg3A_201 : vector<16xf32>
    %add3A_203 = arith.constant 1.000000e+00 : f32
    %add3A_204 = vector.broadcast %add3A_203 : f32 to vector<16xf32>
    %add3A_205 = arith.addf %add3A_204, %exp3A_202 : vector<16xf32>
    %div3A_206 = arith.constant 1.000000e+00 : f32
    %div3A_207 = vector.broadcast %div3A_206 : f32 to vector<16xf32>
    %div3A_208 = arith.divf %div3A_207, %add3A_205 : vector<16xf32>
    %sub3A_209 = arith.constant 5.000000e-01 : f32
    %sub3A_210 = vector.broadcast %sub3A_209 : f32 to vector<16xf32>
    %sub3A_211 = arith.subf %get3A_195, %sub3A_210 : vector<16xf32>
    %mul3A_212 = arith.mulf %div3A_208, %sub3A_211 : vector<16xf32>
    %sub3A_213 = arith.constant 5.000000e-01 : f32
    %sub3A_214 = vector.broadcast %sub3A_213 : f32 to vector<16xf32>
    %sub3A_215 = arith.subf %sub3A_214, %get3A_198 : vector<16xf32>
    %add3A_216 = arith.addf %mul3A_212, %sub3A_215 : vector<16xf32>
    %mul3A_217 = arith.mulf %add3A_216, %add3A_216 : vector<16xf32>
    %add3A_218 = arith.addf %add3A_187, %mul3A_217 : vector<16xf32>
    %mul3A_219 = arith.constant 3.000000e-01 : f32
    %mul3A_220 = vector.broadcast %mul3A_219 : f32 to vector<16xf32>
    %mul3A_221 = arith.mulf %mul3A_220, %div3A_208 : vector<16xf32>
    %sub3A_222 = arith.subf %get3A_195, %get3A_198 : vector<16xf32>
    %abs3A_223 = math.absf %sub3A_222 : vector<16xf32>
    %mul3A_224 = arith.mulf %mul3A_221, %abs3A_223 : vector<16xf32>
    %add3A_225 = arith.addf %add3A_218, %mul3A_224 : vector<16xf32>
    %get3A_226 = arith.constant 0 : i32
    %get3A_227 = arith.index_cast %get3A_226 : i32 to index
    %get3A_228 = arith.constant 64 : index
    %get3A_229 = tpu.vector_load %arg8[%get3A_227, %get3A_228] {strides = array<i32>} : memref<4x128xf32, #tpu.memory_space<vmem>>, vector<1x16xf32>,
    %get3A_230 = vector.shape_cast %get3A_229 : vector<1x16xf32> to vector<16xf32>
    %get3A_231 = arith.constant 64 : index
    %get3A_232 = tpu.vector_load %arg9[%get3A_231] {strides = array<i32>} : memref<512xf32, #tpu.memory_space<vmem>>, vector<16xf32>,
    %get3A_233 = vector.shape_cast %get3A_232 : vector<16xf32> to vector<16xf32>
    %get3A_234 = arith.constant 64 : index
    %get3A_235 = tpu.vector_load %arg10[%get3A_234] {strides = array<i32>} : memref<512xf32, #tpu.memory_space<vmem>>, vector<16xf32>,
    %get3A_236 = vector.shape_cast %get3A_235 : vector<16xf32> to vector<16xf32>
    %neg3A_237 = arith.constant 0.000000e+00 : f32
    %neg3A_238 = vector.broadcast %neg3A_237 : f32 to vector<16xf32>
    %neg3A_239 = arith.subf %neg3A_238, %get3A_230 : vector<16xf32>
    %exp3A_240 = math.exp %neg3A_239 : vector<16xf32>
    %add3A_241 = arith.constant 1.000000e+00 : f32
    %add3A_242 = vector.broadcast %add3A_241 : f32 to vector<16xf32>
    %add3A_243 = arith.addf %add3A_242, %exp3A_240 : vector<16xf32>
    %div3A_244 = arith.constant 1.000000e+00 : f32
    %div3A_245 = vector.broadcast %div3A_244 : f32 to vector<16xf32>
    %div3A_246 = arith.divf %div3A_245, %add3A_243 : vector<16xf32>
    %sub3A_247 = arith.constant 5.000000e-01 : f32
    %sub3A_248 = vector.broadcast %sub3A_247 : f32 to vector<16xf32>
    %sub3A_249 = arith.subf %get3A_233, %sub3A_248 : vector<16xf32>
    %mul3A_250 = arith.mulf %div3A_246, %sub3A_249 : vector<16xf32>
    %sub3A_251 = arith.constant 5.000000e-01 : f32
    %sub3A_252 = vector.broadcast %sub3A_251 : f32 to vector<16xf32>
    %sub3A_253 = arith.subf %sub3A_252, %get3A_236 : vector<16xf32>
    %add3A_254 = arith.addf %mul3A_250, %sub3A_253 : vector<16xf32>
    %mul3A_255 = arith.mulf %add3A_254, %add3A_254 : vector<16xf32>
    %add3A_256 = arith.addf %add3A_225, %mul3A_255 : vector<16xf32>
    %mul3A_257 = arith.constant 3.000000e-01 : f32
    %mul3A_258 = vector.broadcast %mul3A_257 : f32 to vector<16xf32>
    %mul3A_259 = arith.mulf %mul3A_258, %div3A_246 : vector<16xf32>
    %sub3A_260 = arith.subf %get3A_233, %get3A_236 : vector<16xf32>
    %abs3A_261 = math.absf %sub3A_260 : vector<16xf32>
    %mul3A_262 = arith.mulf %mul3A_259, %abs3A_261 : vector<16xf32>
    %add3A_263 = arith.addf %add3A_256, %mul3A_262 : vector<16xf32>
    %get3A_264 = arith.constant 0 : i32
    %get3A_265 = arith.index_cast %get3A_264 : i32 to index
    %get3A_266 = arith.constant 80 : index
    %get3A_267 = tpu.vector_load %arg8[%get3A_265, %get3A_266] {strides = array<i32>} : memref<4x128xf32, #tpu.memory_space<vmem>>, vector<1x16xf32>,
    %get3A_268 = vector.shape_cast %get3A_267 : vector<1x16xf32> to vector<16xf32>
    %get3A_269 = arith.constant 80 : index
    %get3A_270 = tpu.vector_load %arg9[%get3A_269] {strides = array<i32>} : memref<512xf32, #tpu.memory_space<vmem>>, vector<16xf32>,
    %get3A_271 = vector.shape_cast %get3A_270 : vector<16xf32> to vector<16xf32>
    %get3A_272 = arith.constant 80 : index
    %get3A_273 = tpu.vector_load %arg10[%get3A_272] {strides = array<i32>} : memref<512xf32, #tpu.memory_space<vmem>>, vector<16xf32>,
    %get3A_274 = vector.shape_cast %get3A_273 : vector<16xf32> to vector<16xf32>
    %neg3A_275 = arith.constant 0.000000e+00 : f32
    %neg3A_276 = vector.broadcast %neg3A_275 : f32 to vector<16xf32>
    %neg3A_277 = arith.subf %neg3A_276, %get3A_268 : vector<16xf32>
    %exp3A_278 = math.exp %neg3A_277 : vector<16xf32>
    %add3A_279 = arith.constant 1.000000e+00 : f32
    %add3A_280 = vector.broadcast %add3A_279 : f32 to vector<16xf32>
    %add3A_281 = arith.addf %add3A_280, %exp3A_278 : vector<16xf32>
    %div3A_282 = arith.constant 1.000000e+00 : f32
    %div3A_283 = vector.broadcast %div3A_282 : f32 to vector<16xf32>
    %div3A_284 = arith.divf %div3A_283, %add3A_281 : vector<16xf32>
    %sub3A_285 = arith.constant 5.000000e-01 : f32
    %sub3A_286 = vector.broadcast %sub3A_285 : f32 to vector<16xf32>
    %sub3A_287 = arith.subf %get3A_271, %sub3A_286 : vector<16xf32>
    %mul3A_288 = arith.mulf %div3A_284, %sub3A_287 : vector<16xf32>
    %sub3A_289 = arith.constant 5.000000e-01 : f32
    %sub3A_290 = vector.broadcast %sub3A_289 : f32 to vector<16xf32>
    %sub3A_291 = arith.subf %sub3A_290, %get3A_274 : vector<16xf32>
    %add3A_292 = arith.addf %mul3A_288, %sub3A_291 : vector<16xf32>
    %mul3A_293 = arith.mulf %add3A_292, %add3A_292 : vector<16xf32>
    %add3A_294 = arith.addf %add3A_263, %mul3A_293 : vector<16xf32>
    %mul3A_295 = arith.constant 3.000000e-01 : f32
    %mul3A_296 = vector.broadcast %mul3A_295 : f32 to vector<16xf32>
    %mul3A_297 = arith.mulf %mul3A_296, %div3A_284 : vector<16xf32>
    %sub3A_298 = arith.subf %get3A_271, %get3A_274 : vector<16xf32>
    %abs3A_299 = math.absf %sub3A_298 : vector<16xf32>
    %mul3A_300 = arith.mulf %mul3A_297, %abs3A_299 : vector<16xf32>
    %add3A_301 = arith.addf %add3A_294, %mul3A_300 : vector<16xf32>
    %get3A_302 = arith.constant 0 : i32
    %get3A_303 = arith.index_cast %get3A_302 : i32 to index
    %get3A_304 = arith.constant 96 : index
    %get3A_305 = tpu.vector_load %arg8[%get3A_303, %get3A_304] {strides = array<i32>} : memref<4x128xf32, #tpu.memory_space<vmem>>, vector<1x16xf32>,
    %get3A_306 = vector.shape_cast %get3A_305 : vector<1x16xf32> to vector<16xf32>
    %get3A_307 = arith.constant 96 : index
    %get3A_308 = tpu.vector_load %arg9[%get3A_307] {strides = array<i32>} : memref<512xf32, #tpu.memory_space<vmem>>, vector<16xf32>,
    %get3A_309 = vector.shape_cast %get3A_308 : vector<16xf32> to vector<16xf32>
    %get3A_310 = arith.constant 96 : index
    %get3A_311 = tpu.vector_load %arg10[%get3A_310] {strides = array<i32>} : memref<512xf32, #tpu.memory_space<vmem>>, vector<16xf32>,
    %get3A_312 = vector.shape_cast %get3A_311 : vector<16xf32> to vector<16xf32>
    %neg3A_313 = arith.constant 0.000000e+00 : f32
    %neg3A_314 = vector.broadcast %neg3A_313 : f32 to vector<16xf32>
    %neg3A_315 = arith.subf %neg3A_314, %get3A_306 : vector<16xf32>
    %exp3A_316 = math.exp %neg3A_315 : vector<16xf32>
    %add3A_317 = arith.constant 1.000000e+00 : f32
    %add3A_318 = vector.broadcast %add3A_317 : f32 to vector<16xf32>
    %add3A_319 = arith.addf %add3A_318, %exp3A_316 : vector<16xf32>
    %div3A_320 = arith.constant 1.000000e+00 : f32
    %div3A_321 = vector.broadcast %div3A_320 : f32 to vector<16xf32>
    %div3A_322 = arith.divf %div3A_321, %add3A_319 : vector<16xf32>
    %sub3A_323 = arith.constant 5.000000e-01 : f32
    %sub3A_324 = vector.broadcast %sub3A_323 : f32 to vector<16xf32>
    %sub3A_325 = arith.subf %get3A_309, %sub3A_324 : vector<16xf32>
    %mul3A_326 = arith.mulf %div3A_322, %sub3A_325 : vector<16xf32>
    %sub3A_327 = arith.constant 5.000000e-01 : f32
    %sub3A_328 = vector.broadcast %sub3A_327 : f32 to vector<16xf32>
    %sub3A_329 = arith.subf %sub3A_328, %get3A_312 : vector<16xf32>
    %add3A_330 = arith.addf %mul3A_326, %sub3A_329 : vector<16xf32>
    %mul3A_331 = arith.mulf %add3A_330, %add3A_330 : vector<16xf32>
    %add3A_332 = arith.addf %add3A_301, %mul3A_331 : vector<16xf32>
    %mul3A_333 = arith.constant 3.000000e-01 : f32
    %mul3A_334 = vector.broadcast %mul3A_333 : f32 to vector<16xf32>
    %mul3A_335 = arith.mulf %mul3A_334, %div3A_322 : vector<16xf32>
    %sub3A_336 = arith.subf %get3A_309, %get3A_312 : vector<16xf32>
    %abs3A_337 = math.absf %sub3A_336 : vector<16xf32>
    %mul3A_338 = arith.mulf %mul3A_335, %abs3A_337 : vector<16xf32>
    %add3A_339 = arith.addf %add3A_332, %mul3A_338 : vector<16xf32>
    %get3A_340 = arith.constant 0 : i32
    %get3A_341 = arith.index_cast %get3A_340 : i32 to index
    %get3A_342 = arith.constant 112 : index
    %get3A_343 = tpu.vector_load %arg8[%get3A_341, %get3A_342] {strides = array<i32>} : memref<4x128xf32, #tpu.memory_space<vmem>>, vector<1x16xf32>,
    %get3A_344 = vector.shape_cast %get3A_343 : vector<1x16xf32> to vector<16xf32>
    %get3A_345 = arith.constant 112 : index
    %get3A_346 = tpu.vector_load %arg9[%get3A_345] {strides = array<i32>} : memref<512xf32, #tpu.memory_space<vmem>>, vector<16xf32>,
    %get3A_347 = vector.shape_cast %get3A_346 : vector<16xf32> to vector<16xf32>
    %get3A_348 = arith.constant 112 : index
    %get3A_349 = tpu.vector_load %arg10[%get3A_348] {strides = array<i32>} : memref<512xf32, #tpu.memory_space<vmem>>, vector<16xf32>,
    %get3A_350 = vector.shape_cast %get3A_349 : vector<16xf32> to vector<16xf32>
    %neg3A_351 = arith.constant 0.000000e+00 : f32
    %neg3A_352 = vector.broadcast %neg3A_351 : f32 to vector<16xf32>
    %neg3A_353 = arith.subf %neg3A_352, %get3A_344 : vector<16xf32>
    %exp3A_354 = math.exp %neg3A_353 : vector<16xf32>
    %add3A_355 = arith.constant 1.000000e+00 : f32
    %add3A_356 = vector.broadcast %add3A_355 : f32 to vector<16xf32>
    %add3A_357 = arith.addf %add3A_356, %exp3A_354 : vector<16xf32>
    %div3A_358 = arith.constant 1.000000e+00 : f32
    %div3A_359 = vector.broadcast %div3A_358 : f32 to vector<16xf32>
    %div3A_360 = arith.divf %div3A_359, %add3A_357 : vector<16xf32>
    %sub3A_361 = arith.constant 5.000000e-01 : f32
    %sub3A_362 = vector.broadcast %sub3A_361 : f32 to vector<16xf32>
    %sub3A_363 = arith.subf %get3A_347, %sub3A_362 : vector<16xf32>
    %mul3A_364 = arith.mulf %div3A_360, %sub3A_363 : vector<16xf32>
    %sub3A_365 = arith.constant 5.000000e-01 : f32
    %sub3A_366 = vector.broadcast %sub3A_365 : f32 to vector<16xf32>
    %sub3A_367 = arith.subf %sub3A_366, %get3A_350 : vector<16xf32>
    %add3A_368 = arith.addf %mul3A_364, %sub3A_367 : vector<16xf32>
    %mul3A_369 = arith.mulf %add3A_368, %add3A_368 : vector<16xf32>
    %add3A_370 = arith.addf %add3A_339, %mul3A_369 : vector<16xf32>
    %mul3A_371 = arith.constant 3.000000e-01 : f32
    %mul3A_372 = vector.broadcast %mul3A_371 : f32 to vector<16xf32>
    %mul3A_373 = arith.mulf %mul3A_372, %div3A_360 : vector<16xf32>
    %sub3A_374 = arith.subf %get3A_347, %get3A_350 : vector<16xf32>
    %abs3A_375 = math.absf %sub3A_374 : vector<16xf32>
    %mul3A_376 = arith.mulf %mul3A_373, %abs3A_375 : vector<16xf32>
    %add3A_377 = arith.addf %add3A_370, %mul3A_376 : vector<16xf32>
    %get3A_378 = arith.constant 1 : i32
    %get3A_379 = arith.index_cast %get3A_378 : i32 to index
    %get3A_380 = arith.constant 0 : index
    %get3A_381 = tpu.vector_load %arg8[%get3A_379, %get3A_380] {strides = array<i32>} : memref<4x128xf32, #tpu.memory_space<vmem>>, vector<1x16xf32>,
    %get3A_382 = vector.shape_cast %get3A_381 : vector<1x16xf32> to vector<16xf32>
    %get3A_383 = arith.constant 128 : index
    %get3A_384 = tpu.vector_load %arg9[%get3A_383] {strides = array<i32>} : memref<512xf32, #tpu.memory_space<vmem>>, vector<16xf32>,
    %get3A_385 = vector.shape_cast %get3A_384 : vector<16xf32> to vector<16xf32>
    %get3A_386 = arith.constant 128 : index
    %get3A_387 = tpu.vector_load %arg10[%get3A_386] {strides = array<i32>} : memref<512xf32, #tpu.memory_space<vmem>>, vector<16xf32>,
    %get3A_388 = vector.shape_cast %get3A_387 : vector<16xf32> to vector<16xf32>
    %neg3A_389 = arith.constant 0.000000e+00 : f32
    %neg3A_390 = vector.broadcast %neg3A_389 : f32 to vector<16xf32>
    %neg3A_391 = arith.subf %neg3A_390, %get3A_382 : vector<16xf32>
    %exp3A_392 = math.exp %neg3A_391 : vector<16xf32>
    %add3A_393 = arith.constant 1.000000e+00 : f32
    %add3A_394 = vector.broadcast %add3A_393 : f32 to vector<16xf32>
    %add3A_395 = arith.addf %add3A_394, %exp3A_392 : vector<16xf32>
    %div3A_396 = arith.constant 1.000000e+00 : f32
    %div3A_397 = vector.broadcast %div3A_396 : f32 to vector<16xf32>
    %div3A_398 = arith.divf %div3A_397, %add3A_395 : vector<16xf32>
    %sub3A_399 = arith.constant 5.000000e-01 : f32
    %sub3A_400 = vector.broadcast %sub3A_399 : f32 to vector<16xf32>
    %sub3A_401 = arith.subf %get3A_385, %sub3A_400 : vector<16xf32>
    %mul3A_402 = arith.mulf %div3A_398, %sub3A_401 : vector<16xf32>
    %sub3A_403 = arith.constant 5.000000e-01 : f32
    %sub3A_404 = vector.broadcast %sub3A_403 : f32 to vector<16xf32>
    %sub3A_405 = arith.subf %sub3A_404, %get3A_388 : vector<16xf32>
    %add3A_406 = arith.addf %mul3A_402, %sub3A_405 : vector<16xf32>
    %mul3A_407 = arith.mulf %add3A_406, %add3A_406 : vector<16xf32>
    %add3A_408 = arith.addf %add3A_377, %mul3A_407 : vector<16xf32>
    %mul3A_409 = arith.constant 3.000000e-01 : f32
    %mul3A_410 = vector.broadcast %mul3A_409 : f32 to vector<16xf32>
    %mul3A_411 = arith.mulf %mul3A_410, %div3A_398 : vector<16xf32>
    %sub3A_412 = arith.subf %get3A_385, %get3A_388 : vector<16xf32>
    %abs3A_413 = math.absf %sub3A_412 : vector<16xf32>
    %mul3A_414 = arith.mulf %mul3A_411, %abs3A_413 : vector<16xf32>
    %add3A_415 = arith.addf %add3A_408, %mul3A_414 : vector<16xf32>
    %get3A_416 = arith.constant 1 : i32
    %get3A_417 = arith.index_cast %get3A_416 : i32 to index
    %get3A_418 = arith.constant 16 : index
    %get3A_419 = tpu.vector_load %arg8[%get3A_417, %get3A_418] {strides = array<i32>} : memref<4x128xf32, #tpu.memory_space<vmem>>, vector<1x16xf32>,
    %get3A_420 = vector.shape_cast %get3A_419 : vector<1x16xf32> to vector<16xf32>
    %get3A_421 = arith.constant 144 : index
    %get3A_422 = tpu.vector_load %arg9[%get3A_421] {strides = array<i32>} : memref<512xf32, #tpu.memory_space<vmem>>, vector<16xf32>,
    %get3A_423 = vector.shape_cast %get3A_422 : vector<16xf32> to vector<16xf32>
    %get3A_424 = arith.constant 144 : index
    %get3A_425 = tpu.vector_load %arg10[%get3A_424] {strides = array<i32>} : memref<512xf32, #tpu.memory_space<vmem>>, vector<16xf32>,
    %get3A_426 = vector.shape_cast %get3A_425 : vector<16xf32> to vector<16xf32>
    %neg3A_427 = arith.constant 0.000000e+00 : f32
    %neg3A_428 = vector.broadcast %neg3A_427 : f32 to vector<16xf32>
    %neg3A_429 = arith.subf %neg3A_428, %get3A_420 : vector<16xf32>
    %exp3A_430 = math.exp %neg3A_429 : vector<16xf32>
    %add3A_431 = arith.constant 1.000000e+00 : f32
    %add3A_432 = vector.broadcast %add3A_431 : f32 to vector<16xf32>
    %add3A_433 = arith.addf %add3A_432, %exp3A_430 : vector<16xf32>
    %div3A_434 = arith.constant 1.000000e+00 : f32
    %div3A_435 = vector.broadcast %div3A_434 : f32 to vector<16xf32>
    %div3A_436 = arith.divf %div3A_435, %add3A_433 : vector<16xf32>
    %sub3A_437 = arith.constant 5.000000e-01 : f32
    %sub3A_438 = vector.broadcast %sub3A_437 : f32 to vector<16xf32>
    %sub3A_439 = arith.subf %get3A_423, %sub3A_438 : vector<16xf32>
    %mul3A_440 = arith.mulf %div3A_436, %sub3A_439 : vector<16xf32>
    %sub3A_441 = arith.constant 5.000000e-01 : f32
    %sub3A_442 = vector.broadcast %sub3A_441 : f32 to vector<16xf32>
    %sub3A_443 = arith.subf %sub3A_442, %get3A_426 : vector<16xf32>
    %add3A_444 = arith.addf %mul3A_440, %sub3A_443 : vector<16xf32>
    %mul3A_445 = arith.mulf %add3A_444, %add3A_444 : vector<16xf32>
    %add3A_446 = arith.addf %add3A_415, %mul3A_445 : vector<16xf32>
    %mul3A_447 = arith.constant 3.000000e-01 : f32
    %mul3A_448 = vector.broadcast %mul3A_447 : f32 to vector<16xf32>
    %mul3A_449 = arith.mulf %mul3A_448, %div3A_436 : vector<16xf32>
    %sub3A_450 = arith.subf %get3A_423, %get3A_426 : vector<16xf32>
    %abs3A_451 = math.absf %sub3A_450 : vector<16xf32>
    %mul3A_452 = arith.mulf %mul3A_449, %abs3A_451 : vector<16xf32>
    %add3A_453 = arith.addf %add3A_446, %mul3A_452 : vector<16xf32>
    %get3A_454 = arith.constant 1 : i32
    %get3A_455 = arith.index_cast %get3A_454 : i32 to index
    %get3A_456 = arith.constant 32 : index
    %get3A_457 = tpu.vector_load %arg8[%get3A_455, %get3A_456] {strides = array<i32>} : memref<4x128xf32, #tpu.memory_space<vmem>>, vector<1x16xf32>,
    %get3A_458 = vector.shape_cast %get3A_457 : vector<1x16xf32> to vector<16xf32>
    %get3A_459 = arith.constant 160 : index
    %get3A_460 = tpu.vector_load %arg9[%get3A_459] {strides = array<i32>} : memref<512xf32, #tpu.memory_space<vmem>>, vector<16xf32>,
    %get3A_461 = vector.shape_cast %get3A_460 : vector<16xf32> to vector<16xf32>
    %get3A_462 = arith.constant 160 : index
    %get3A_463 = tpu.vector_load %arg10[%get3A_462] {strides = array<i32>} : memref<512xf32, #tpu.memory_space<vmem>>, vector<16xf32>,
    %get3A_464 = vector.shape_cast %get3A_463 : vector<16xf32> to vector<16xf32>
    %neg3A_465 = arith.constant 0.000000e+00 : f32
    %neg3A_466 = vector.broadcast %neg3A_465 : f32 to vector<16xf32>
    %neg3A_467 = arith.subf %neg3A_466, %get3A_458 : vector<16xf32>
    %exp3A_468 = math.exp %neg3A_467 : vector<16xf32>
    %add3A_469 = arith.constant 1.000000e+00 : f32
    %add3A_470 = vector.broadcast %add3A_469 : f32 to vector<16xf32>
    %add3A_471 = arith.addf %add3A_470, %exp3A_468 : vector<16xf32>
    %div3A_472 = arith.constant 1.000000e+00 : f32
    %div3A_473 = vector.broadcast %div3A_472 : f32 to vector<16xf32>
    %div3A_474 = arith.divf %div3A_473, %add3A_471 : vector<16xf32>
    %sub3A_475 = arith.constant 5.000000e-01 : f32
    %sub3A_476 = vector.broadcast %sub3A_475 : f32 to vector<16xf32>
    %sub3A_477 = arith.subf %get3A_461, %sub3A_476 : vector<16xf32>
    %mul3A_478 = arith.mulf %div3A_474, %sub3A_477 : vector<16xf32>
    %sub3A_479 = arith.constant 5.000000e-01 : f32
    %sub3A_480 = vector.broadcast %sub3A_479 : f32 to vector<16xf32>
    %sub3A_481 = arith.subf %sub3A_480, %get3A_464 : vector<16xf32>
    %add3A_482 = arith.addf %mul3A_478, %sub3A_481 : vector<16xf32>
    %mul3A_483 = arith.mulf %add3A_482, %add3A_482 : vector<16xf32>
    %add3A_484 = arith.addf %add3A_453, %mul3A_483 : vector<16xf32>
    %mul3A_485 = arith.constant 3.000000e-01 : f32
    %mul3A_486 = vector.broadcast %mul3A_485 : f32 to vector<16xf32>
    %mul3A_487 = arith.mulf %mul3A_486, %div3A_474 : vector<16xf32>
    %sub3A_488 = arith.subf %get3A_461, %get3A_464 : vector<16xf32>
    %abs3A_489 = math.absf %sub3A_488 : vector<16xf32>
    %mul3A_490 = arith.mulf %mul3A_487, %abs3A_489 : vector<16xf32>
    %add3A_491 = arith.addf %add3A_484, %mul3A_490 : vector<16xf32>
    %get3A_492 = arith.constant 1 : i32
    %get3A_493 = arith.index_cast %get3A_492 : i32 to index
    %get3A_494 = arith.constant 48 : index
    %get3A_495 = tpu.vector_load %arg8[%get3A_493, %get3A_494] {strides = array<i32>} : memref<4x128xf32, #tpu.memory_space<vmem>>, vector<1x16xf32>,
    %get3A_496 = vector.shape_cast %get3A_495 : vector<1x16xf32> to vector<16xf32>
    %get3A_497 = arith.constant 176 : index
    %get3A_498 = tpu.vector_load %arg9[%get3A_497] {strides = array<i32>} : memref<512xf32, #tpu.memory_space<vmem>>, vector<16xf32>,
    %get3A_499 = vector.shape_cast %get3A_498 : vector<16xf32> to vector<16xf32>
    %get3A_500 = arith.constant 176 : index
    %get3A_501 = tpu.vector_load %arg10[%get3A_500] {strides = array<i32>} : memref<512xf32, #tpu.memory_space<vmem>>, vector<16xf32>,
    %get3A_502 = vector.shape_cast %get3A_501 : vector<16xf32> to vector<16xf32>
    %neg3A_503 = arith.constant 0.000000e+00 : f32
    %neg3A_504 = vector.broadcast %neg3A_503 : f32 to vector<16xf32>
    %neg3A_505 = arith.subf %neg3A_504, %get3A_496 : vector<16xf32>
    %exp3A_506 = math.exp %neg3A_505 : vector<16xf32>
    %add3A_507 = arith.constant 1.000000e+00 : f32
    %add3A_508 = vector.broadcast %add3A_507 : f32 to vector<16xf32>
    %add3A_509 = arith.addf %add3A_508, %exp3A_506 : vector<16xf32>
    %div3A_510 = arith.constant 1.000000e+00 : f32
    %div3A_511 = vector.broadcast %div3A_510 : f32 to vector<16xf32>
    %div3A_512 = arith.divf %div3A_511, %add3A_509 : vector<16xf32>
    %sub3A_513 = arith.constant 5.000000e-01 : f32
    %sub3A_514 = vector.broadcast %sub3A_513 : f32 to vector<16xf32>
    %sub3A_515 = arith.subf %get3A_499, %sub3A_514 : vector<16xf32>
    %mul3A_516 = arith.mulf %div3A_512, %sub3A_515 : vector<16xf32>
    %sub3A_517 = arith.constant 5.000000e-01 : f32
    %sub3A_518 = vector.broadcast %sub3A_517 : f32 to vector<16xf32>
    %sub3A_519 = arith.subf %sub3A_518, %get3A_502 : vector<16xf32>
    %add3A_520 = arith.addf %mul3A_516, %sub3A_519 : vector<16xf32>
    %mul3A_521 = arith.mulf %add3A_520, %add3A_520 : vector<16xf32>
    %add3A_522 = arith.addf %add3A_491, %mul3A_521 : vector<16xf32>
    %mul3A_523 = arith.constant 3.000000e-01 : f32
    %mul3A_524 = vector.broadcast %mul3A_523 : f32 to vector<16xf32>
    %mul3A_525 = arith.mulf %mul3A_524, %div3A_512 : vector<16xf32>
    %sub3A_526 = arith.subf %get3A_499, %get3A_502 : vector<16xf32>
    %abs3A_527 = math.absf %sub3A_526 : vector<16xf32>
    %mul3A_528 = arith.mulf %mul3A_525, %abs3A_527 : vector<16xf32>
    %add3A_529 = arith.addf %add3A_522, %mul3A_528 : vector<16xf32>
    %get3A_530 = arith.constant 1 : i32
    %get3A_531 = arith.index_cast %get3A_530 : i32 to index
    %get3A_532 = arith.constant 64 : index
    %get3A_533 = tpu.vector_load %arg8[%get3A_531, %get3A_532] {strides = array<i32>} : memref<4x128xf32, #tpu.memory_space<vmem>>, vector<1x16xf32>,
    %get3A_534 = vector.shape_cast %get3A_533 : vector<1x16xf32> to vector<16xf32>
    %get3A_535 = arith.constant 192 : index
    %get3A_536 = tpu.vector_load %arg9[%get3A_535] {strides = array<i32>} : memref<512xf32, #tpu.memory_space<vmem>>, vector<16xf32>,
    %get3A_537 = vector.shape_cast %get3A_536 : vector<16xf32> to vector<16xf32>
    %get3A_538 = arith.constant 192 : index
    %get3A_539 = tpu.vector_load %arg10[%get3A_538] {strides = array<i32>} : memref<512xf32, #tpu.memory_space<vmem>>, vector<16xf32>,
    %get3A_540 = vector.shape_cast %get3A_539 : vector<16xf32> to vector<16xf32>
    %neg3A_541 = arith.constant 0.000000e+00 : f32
    %neg3A_542 = vector.broadcast %neg3A_541 : f32 to vector<16xf32>
    %neg3A_543 = arith.subf %neg3A_542, %get3A_534 : vector<16xf32>
    %exp3A_544 = math.exp %neg3A_543 : vector<16xf32>
    %add3A_545 = arith.constant 1.000000e+00 : f32
    %add3A_546 = vector.broadcast %add3A_545 : f32 to vector<16xf32>
    %add3A_547 = arith.addf %add3A_546, %exp3A_544 : vector<16xf32>
    %div3A_548 = arith.constant 1.000000e+00 : f32
    %div3A_549 = vector.broadcast %div3A_548 : f32 to vector<16xf32>
    %div3A_550 = arith.divf %div3A_549, %add3A_547 : vector<16xf32>
    %sub3A_551 = arith.constant 5.000000e-01 : f32
    %sub3A_552 = vector.broadcast %sub3A_551 : f32 to vector<16xf32>
    %sub3A_553 = arith.subf %get3A_537, %sub3A_552 : vector<16xf32>
    %mul3A_554 = arith.mulf %div3A_550, %sub3A_553 : vector<16xf32>
    %sub3A_555 = arith.constant 5.000000e-01 : f32
    %sub3A_556 = vector.broadcast %sub3A_555 : f32 to vector<16xf32>
    %sub3A_557 = arith.subf %sub3A_556, %get3A_540 : vector<16xf32>
    %add3A_558 = arith.addf %mul3A_554, %sub3A_557 : vector<16xf32>
    %mul3A_559 = arith.mulf %add3A_558, %add3A_558 : vector<16xf32>
    %add3A_560 = arith.addf %add3A_529, %mul3A_559 : vector<16xf32>
    %mul3A_561 = arith.constant 3.000000e-01 : f32
    %mul3A_562 = vector.broadcast %mul3A_561 : f32 to vector<16xf32>
    %mul3A_563 = arith.mulf %mul3A_562, %div3A_550 : vector<16xf32>
    %sub3A_564 = arith.subf %get3A_537, %get3A_540 : vector<16xf32>
    %abs3A_565 = math.absf %sub3A_564 : vector<16xf32>
    %mul3A_566 = arith.mulf %mul3A_563, %abs3A_565 : vector<16xf32>
    %add3A_567 = arith.addf %add3A_560, %mul3A_566 : vector<16xf32>
    %get3A_568 = arith.constant 1 : i32
    %get3A_569 = arith.index_cast %get3A_568 : i32 to index
    %get3A_570 = arith.constant 80 : index
    %get3A_571 = tpu.vector_load %arg8[%get3A_569, %get3A_570] {strides = array<i32>} : memref<4x128xf32, #tpu.memory_space<vmem>>, vector<1x16xf32>,
    %get3A_572 = vector.shape_cast %get3A_571 : vector<1x16xf32> to vector<16xf32>
    %get3A_573 = arith.constant 208 : index
    %get3A_574 = tpu.vector_load %arg9[%get3A_573] {strides = array<i32>} : memref<512xf32, #tpu.memory_space<vmem>>, vector<16xf32>,
    %get3A_575 = vector.shape_cast %get3A_574 : vector<16xf32> to vector<16xf32>
    %get3A_576 = arith.constant 208 : index
    %get3A_577 = tpu.vector_load %arg10[%get3A_576] {strides = array<i32>} : memref<512xf32, #tpu.memory_space<vmem>>, vector<16xf32>,
    %get3A_578 = vector.shape_cast %get3A_577 : vector<16xf32> to vector<16xf32>
    %neg3A_579 = arith.constant 0.000000e+00 : f32
    %neg3A_580 = vector.broadcast %neg3A_579 : f32 to vector<16xf32>
    %neg3A_581 = arith.subf %neg3A_580, %get3A_572 : vector<16xf32>
    %exp3A_582 = math.exp %neg3A_581 : vector<16xf32>
    %add3A_583 = arith.constant 1.000000e+00 : f32
    %add3A_584 = vector.broadcast %add3A_583 : f32 to vector<16xf32>
    %add3A_585 = arith.addf %add3A_584, %exp3A_582 : vector<16xf32>
    %div3A_586 = arith.constant 1.000000e+00 : f32
    %div3A_587 = vector.broadcast %div3A_586 : f32 to vector<16xf32>
    %div3A_588 = arith.divf %div3A_587, %add3A_585 : vector<16xf32>
    %sub3A_589 = arith.constant 5.000000e-01 : f32
    %sub3A_590 = vector.broadcast %sub3A_589 : f32 to vector<16xf32>
    %sub3A_591 = arith.subf %get3A_575, %sub3A_590 : vector<16xf32>
    %mul3A_592 = arith.mulf %div3A_588, %sub3A_591 : vector<16xf32>
    %sub3A_593 = arith.constant 5.000000e-01 : f32
    %sub3A_594 = vector.broadcast %sub3A_593 : f32 to vector<16xf32>
    %sub3A_595 = arith.subf %sub3A_594, %get3A_578 : vector<16xf32>
    %add3A_596 = arith.addf %mul3A_592, %sub3A_595 : vector<16xf32>
    %mul3A_597 = arith.mulf %add3A_596, %add3A_596 : vector<16xf32>
    %add3A_598 = arith.addf %add3A_567, %mul3A_597 : vector<16xf32>
    %mul3A_599 = arith.constant 3.000000e-01 : f32
    %mul3A_600 = vector.broadcast %mul3A_599 : f32 to vector<16xf32>
    %mul3A_601 = arith.mulf %mul3A_600, %div3A_588 : vector<16xf32>
    %sub3A_602 = arith.subf %get3A_575, %get3A_578 : vector<16xf32>
    %abs3A_603 = math.absf %sub3A_602 : vector<16xf32>
    %mul3A_604 = arith.mulf %mul3A_601, %abs3A_603 : vector<16xf32>
    %add3A_605 = arith.addf %add3A_598, %mul3A_604 : vector<16xf32>
    %get3A_606 = arith.constant 1 : i32
    %get3A_607 = arith.index_cast %get3A_606 : i32 to index
    %get3A_608 = arith.constant 96 : index
    %get3A_609 = tpu.vector_load %arg8[%get3A_607, %get3A_608] {strides = array<i32>} : memref<4x128xf32, #tpu.memory_space<vmem>>, vector<1x16xf32>,
    %get3A_610 = vector.shape_cast %get3A_609 : vector<1x16xf32> to vector<16xf32>
    %get3A_611 = arith.constant 224 : index
    %get3A_612 = tpu.vector_load %arg9[%get3A_611] {strides = array<i32>} : memref<512xf32, #tpu.memory_space<vmem>>, vector<16xf32>,
    %get3A_613 = vector.shape_cast %get3A_612 : vector<16xf32> to vector<16xf32>
    %get3A_614 = arith.constant 224 : index
    %get3A_615 = tpu.vector_load %arg10[%get3A_614] {strides = array<i32>} : memref<512xf32, #tpu.memory_space<vmem>>, vector<16xf32>,
    %get3A_616 = vector.shape_cast %get3A_615 : vector<16xf32> to vector<16xf32>
    %neg3A_617 = arith.constant 0.000000e+00 : f32
    %neg3A_618 = vector.broadcast %neg3A_617 : f32 to vector<16xf32>
    %neg3A_619 = arith.subf %neg3A_618, %get3A_610 : vector<16xf32>
    %exp3A_620 = math.exp %neg3A_619 : vector<16xf32>
    %add3A_621 = arith.constant 1.000000e+00 : f32
    %add3A_622 = vector.broadcast %add3A_621 : f32 to vector<16xf32>
    %add3A_623 = arith.addf %add3A_622, %exp3A_620 : vector<16xf32>
    %div3A_624 = arith.constant 1.000000e+00 : f32
    %div3A_625 = vector.broadcast %div3A_624 : f32 to vector<16xf32>
    %div3A_626 = arith.divf %div3A_625, %add3A_623 : vector<16xf32>
    %sub3A_627 = arith.constant 5.000000e-01 : f32
    %sub3A_628 = vector.broadcast %sub3A_627 : f32 to vector<16xf32>
    %sub3A_629 = arith.subf %get3A_613, %sub3A_628 : vector<16xf32>
    %mul3A_630 = arith.mulf %div3A_626, %sub3A_629 : vector<16xf32>
    %sub3A_631 = arith.constant 5.000000e-01 : f32
    %sub3A_632 = vector.broadcast %sub3A_631 : f32 to vector<16xf32>
    %sub3A_633 = arith.subf %sub3A_632, %get3A_616 : vector<16xf32>
    %add3A_634 = arith.addf %mul3A_630, %sub3A_633 : vector<16xf32>
    %mul3A_635 = arith.mulf %add3A_634, %add3A_634 : vector<16xf32>
    %add3A_636 = arith.addf %add3A_605, %mul3A_635 : vector<16xf32>
    %mul3A_637 = arith.constant 3.000000e-01 : f32
    %mul3A_638 = vector.broadcast %mul3A_637 : f32 to vector<16xf32>
    %mul3A_639 = arith.mulf %mul3A_638, %div3A_626 : vector<16xf32>
    %sub3A_640 = arith.subf %get3A_613, %get3A_616 : vector<16xf32>
    %abs3A_641 = math.absf %sub3A_640 : vector<16xf32>
    %mul3A_642 = arith.mulf %mul3A_639, %abs3A_641 : vector<16xf32>
    %add3A_643 = arith.addf %add3A_636, %mul3A_642 : vector<16xf32>
    %get3A_644 = arith.constant 1 : i32
    %get3A_645 = arith.index_cast %get3A_644 : i32 to index
    %get3A_646 = arith.constant 112 : index
    %get3A_647 = tpu.vector_load %arg8[%get3A_645, %get3A_646] {strides = array<i32>} : memref<4x128xf32, #tpu.memory_space<vmem>>, vector<1x16xf32>,
    %get3A_648 = vector.shape_cast %get3A_647 : vector<1x16xf32> to vector<16xf32>
    %get3A_649 = arith.constant 240 : index
    %get3A_650 = tpu.vector_load %arg9[%get3A_649] {strides = array<i32>} : memref<512xf32, #tpu.memory_space<vmem>>, vector<16xf32>,
    %get3A_651 = vector.shape_cast %get3A_650 : vector<16xf32> to vector<16xf32>
    %get3A_652 = arith.constant 240 : index
    %get3A_653 = tpu.vector_load %arg10[%get3A_652] {strides = array<i32>} : memref<512xf32, #tpu.memory_space<vmem>>, vector<16xf32>,
    %get3A_654 = vector.shape_cast %get3A_653 : vector<16xf32> to vector<16xf32>
    %neg3A_655 = arith.constant 0.000000e+00 : f32
    %neg3A_656 = vector.broadcast %neg3A_655 : f32 to vector<16xf32>
    %neg3A_657 = arith.subf %neg3A_656, %get3A_648 : vector<16xf32>
    %exp3A_658 = math.exp %neg3A_657 : vector<16xf32>
    %add3A_659 = arith.constant 1.000000e+00 : f32
    %add3A_660 = vector.broadcast %add3A_659 : f32 to vector<16xf32>
    %add3A_661 = arith.addf %add3A_660, %exp3A_658 : vector<16xf32>
    %div3A_662 = arith.constant 1.000000e+00 : f32
    %div3A_663 = vector.broadcast %div3A_662 : f32 to vector<16xf32>
    %div3A_664 = arith.divf %div3A_663, %add3A_661 : vector<16xf32>
    %sub3A_665 = arith.constant 5.000000e-01 : f32
    %sub3A_666 = vector.broadcast %sub3A_665 : f32 to vector<16xf32>
    %sub3A_667 = arith.subf %get3A_651, %sub3A_666 : vector<16xf32>
    %mul3A_668 = arith.mulf %div3A_664, %sub3A_667 : vector<16xf32>
    %sub3A_669 = arith.constant 5.000000e-01 : f32
    %sub3A_670 = vector.broadcast %sub3A_669 : f32 to vector<16xf32>
    %sub3A_671 = arith.subf %sub3A_670, %get3A_654 : vector<16xf32>
    %add3A_672 = arith.addf %mul3A_668, %sub3A_671 : vector<16xf32>
    %mul3A_673 = arith.mulf %add3A_672, %add3A_672 : vector<16xf32>
    %add3A_674 = arith.addf %add3A_643, %mul3A_673 : vector<16xf32>
    %mul3A_675 = arith.constant 3.000000e-01 : f32
    %mul3A_676 = vector.broadcast %mul3A_675 : f32 to vector<16xf32>
    %mul3A_677 = arith.mulf %mul3A_676, %div3A_664 : vector<16xf32>
    %sub3A_678 = arith.subf %get3A_651, %get3A_654 : vector<16xf32>
    %abs3A_679 = math.absf %sub3A_678 : vector<16xf32>
    %mul3A_680 = arith.mulf %mul3A_677, %abs3A_679 : vector<16xf32>
    %add3A_681 = arith.addf %add3A_674, %mul3A_680 : vector<16xf32>
    %get3A_682 = arith.constant 2 : i32
    %get3A_683 = arith.index_cast %get3A_682 : i32 to index
    %get3A_684 = arith.constant 0 : index
    %get3A_685 = tpu.vector_load %arg8[%get3A_683, %get3A_684] {strides = array<i32>} : memref<4x128xf32, #tpu.memory_space<vmem>>, vector<1x16xf32>,
    %get3A_686 = vector.shape_cast %get3A_685 : vector<1x16xf32> to vector<16xf32>
    %get3A_687 = arith.constant 256 : index
    %get3A_688 = tpu.vector_load %arg9[%get3A_687] {strides = array<i32>} : memref<512xf32, #tpu.memory_space<vmem>>, vector<16xf32>,
    %get3A_689 = vector.shape_cast %get3A_688 : vector<16xf32> to vector<16xf32>
    %get3A_690 = arith.constant 256 : index
    %get3A_691 = tpu.vector_load %arg10[%get3A_690] {strides = array<i32>} : memref<512xf32, #tpu.memory_space<vmem>>, vector<16xf32>,
    %get3A_692 = vector.shape_cast %get3A_691 : vector<16xf32> to vector<16xf32>
    %neg3A_693 = arith.constant 0.000000e+00 : f32
    %neg3A_694 = vector.broadcast %neg3A_693 : f32 to vector<16xf32>
    %neg3A_695 = arith.subf %neg3A_694, %get3A_686 : vector<16xf32>
    %exp3A_696 = math.exp %neg3A_695 : vector<16xf32>
    %add3A_697 = arith.constant 1.000000e+00 : f32
    %add3A_698 = vector.broadcast %add3A_697 : f32 to vector<16xf32>
    %add3A_699 = arith.addf %add3A_698, %exp3A_696 : vector<16xf32>
    %div3A_700 = arith.constant 1.000000e+00 : f32
    %div3A_701 = vector.broadcast %div3A_700 : f32 to vector<16xf32>
    %div3A_702 = arith.divf %div3A_701, %add3A_699 : vector<16xf32>
    %sub3A_703 = arith.constant 5.000000e-01 : f32
    %sub3A_704 = vector.broadcast %sub3A_703 : f32 to vector<16xf32>
    %sub3A_705 = arith.subf %get3A_689, %sub3A_704 : vector<16xf32>
    %mul3A_706 = arith.mulf %div3A_702, %sub3A_705 : vector<16xf32>
    %sub3A_707 = arith.constant 5.000000e-01 : f32
    %sub3A_708 = vector.broadcast %sub3A_707 : f32 to vector<16xf32>
    %sub3A_709 = arith.subf %sub3A_708, %get3A_692 : vector<16xf32>
    %add3A_710 = arith.addf %mul3A_706, %sub3A_709 : vector<16xf32>
    %mul3A_711 = arith.mulf %add3A_710, %add3A_710 : vector<16xf32>
    %add3A_712 = arith.addf %add3A_681, %mul3A_711 : vector<16xf32>
    %mul3A_713 = arith.constant 3.000000e-01 : f32
    %mul3A_714 = vector.broadcast %mul3A_713 : f32 to vector<16xf32>
    %mul3A_715 = arith.mulf %mul3A_714, %div3A_702 : vector<16xf32>
    %sub3A_716 = arith.subf %get3A_689, %get3A_692 : vector<16xf32>
    %abs3A_717 = math.absf %sub3A_716 : vector<16xf32>
    %mul3A_718 = arith.mulf %mul3A_715, %abs3A_717 : vector<16xf32>
    %add3A_719 = arith.addf %add3A_712, %mul3A_718 : vector<16xf32>
    %get3A_720 = arith.constant 2 : i32
    %get3A_721 = arith.index_cast %get3A_720 : i32 to index
    %get3A_722 = arith.constant 16 : index
    %get3A_723 = tpu.vector_load %arg8[%get3A_721, %get3A_722] {strides = array<i32>} : memref<4x128xf32, #tpu.memory_space<vmem>>, vector<1x16xf32>,
    %get3A_724 = vector.shape_cast %get3A_723 : vector<1x16xf32> to vector<16xf32>
    %get3A_725 = arith.constant 272 : index
    %get3A_726 = tpu.vector_load %arg9[%get3A_725] {strides = array<i32>} : memref<512xf32, #tpu.memory_space<vmem>>, vector<16xf32>,
    %get3A_727 = vector.shape_cast %get3A_726 : vector<16xf32> to vector<16xf32>
    %get3A_728 = arith.constant 272 : index
    %get3A_729 = tpu.vector_load %arg10[%get3A_728] {strides = array<i32>} : memref<512xf32, #tpu.memory_space<vmem>>, vector<16xf32>,
    %get3A_730 = vector.shape_cast %get3A_729 : vector<16xf32> to vector<16xf32>
    %neg3A_731 = arith.constant 0.000000e+00 : f32
    %neg3A_732 = vector.broadcast %neg3A_731 : f32 to vector<16xf32>
    %neg3A_733 = arith.subf %neg3A_732, %get3A_724 : vector<16xf32>
    %exp3A_734 = math.exp %neg3A_733 : vector<16xf32>
    %add3A_735 = arith.constant 1.000000e+00 : f32
    %add3A_736 = vector.broadcast %add3A_735 : f32 to vector<16xf32>
    %add3A_737 = arith.addf %add3A_736, %exp3A_734 : vector<16xf32>
    %div3A_738 = arith.constant 1.000000e+00 : f32
    %div3A_739 = vector.broadcast %div3A_738 : f32 to vector<16xf32>
    %div3A_740 = arith.divf %div3A_739, %add3A_737 : vector<16xf32>
    %sub3A_741 = arith.constant 5.000000e-01 : f32
    %sub3A_742 = vector.broadcast %sub3A_741 : f32 to vector<16xf32>
    %sub3A_743 = arith.subf %get3A_727, %sub3A_742 : vector<16xf32>
    %mul3A_744 = arith.mulf %div3A_740, %sub3A_743 : vector<16xf32>
    %sub3A_745 = arith.constant 5.000000e-01 : f32
    %sub3A_746 = vector.broadcast %sub3A_745 : f32 to vector<16xf32>
    %sub3A_747 = arith.subf %sub3A_746, %get3A_730 : vector<16xf32>
    %add3A_748 = arith.addf %mul3A_744, %sub3A_747 : vector<16xf32>
    %mul3A_749 = arith.mulf %add3A_748, %add3A_748 : vector<16xf32>
    %add3A_750 = arith.addf %add3A_719, %mul3A_749 : vector<16xf32>
    %mul3A_751 = arith.constant 3.000000e-01 : f32
    %mul3A_752 = vector.broadcast %mul3A_751 : f32 to vector<16xf32>
    %mul3A_753 = arith.mulf %mul3A_752, %div3A_740 : vector<16xf32>
    %sub3A_754 = arith.subf %get3A_727, %get3A_730 : vector<16xf32>
    %abs3A_755 = math.absf %sub3A_754 : vector<16xf32>
    %mul3A_756 = arith.mulf %mul3A_753, %abs3A_755 : vector<16xf32>
    %add3A_757 = arith.addf %add3A_750, %mul3A_756 : vector<16xf32>
    %get3A_758 = arith.constant 2 : i32
    %get3A_759 = arith.index_cast %get3A_758 : i32 to index
    %get3A_760 = arith.constant 32 : index
    %get3A_761 = tpu.vector_load %arg8[%get3A_759, %get3A_760] {strides = array<i32>} : memref<4x128xf32, #tpu.memory_space<vmem>>, vector<1x16xf32>,
    %get3A_762 = vector.shape_cast %get3A_761 : vector<1x16xf32> to vector<16xf32>
    %get3A_763 = arith.constant 288 : index
    %get3A_764 = tpu.vector_load %arg9[%get3A_763] {strides = array<i32>} : memref<512xf32, #tpu.memory_space<vmem>>, vector<16xf32>,
    %get3A_765 = vector.shape_cast %get3A_764 : vector<16xf32> to vector<16xf32>
    %get3A_766 = arith.constant 288 : index
    %get3A_767 = tpu.vector_load %arg10[%get3A_766] {strides = array<i32>} : memref<512xf32, #tpu.memory_space<vmem>>, vector<16xf32>,
    %get3A_768 = vector.shape_cast %get3A_767 : vector<16xf32> to vector<16xf32>
    %neg3A_769 = arith.constant 0.000000e+00 : f32
    %neg3A_770 = vector.broadcast %neg3A_769 : f32 to vector<16xf32>
    %neg3A_771 = arith.subf %neg3A_770, %get3A_762 : vector<16xf32>
    %exp3A_772 = math.exp %neg3A_771 : vector<16xf32>
    %add3A_773 = arith.constant 1.000000e+00 : f32
    %add3A_774 = vector.broadcast %add3A_773 : f32 to vector<16xf32>
    %add3A_775 = arith.addf %add3A_774, %exp3A_772 : vector<16xf32>
    %div3A_776 = arith.constant 1.000000e+00 : f32
    %div3A_777 = vector.broadcast %div3A_776 : f32 to vector<16xf32>
    %div3A_778 = arith.divf %div3A_777, %add3A_775 : vector<16xf32>
    %sub3A_779 = arith.constant 5.000000e-01 : f32
    %sub3A_780 = vector.broadcast %sub3A_779 : f32 to vector<16xf32>
    %sub3A_781 = arith.subf %get3A_765, %sub3A_780 : vector<16xf32>
    %mul3A_782 = arith.mulf %div3A_778, %sub3A_781 : vector<16xf32>
    %sub3A_783 = arith.constant 5.000000e-01 : f32
    %sub3A_784 = vector.broadcast %sub3A_783 : f32 to vector<16xf32>
    %sub3A_785 = arith.subf %sub3A_784, %get3A_768 : vector<16xf32>
    %add3A_786 = arith.addf %mul3A_782, %sub3A_785 : vector<16xf32>
    %mul3A_787 = arith.mulf %add3A_786, %add3A_786 : vector<16xf32>
    %add3A_788 = arith.addf %add3A_757, %mul3A_787 : vector<16xf32>
    %mul3A_789 = arith.constant 3.000000e-01 : f32
    %mul3A_790 = vector.broadcast %mul3A_789 : f32 to vector<16xf32>
    %mul3A_791 = arith.mulf %mul3A_790, %div3A_778 : vector<16xf32>
    %sub3A_792 = arith.subf %get3A_765, %get3A_768 : vector<16xf32>
    %abs3A_793 = math.absf %sub3A_792 : vector<16xf32>
    %mul3A_794 = arith.mulf %mul3A_791, %abs3A_793 : vector<16xf32>
    %add3A_795 = arith.addf %add3A_788, %mul3A_794 : vector<16xf32>
    %get3A_796 = arith.constant 2 : i32
    %get3A_797 = arith.index_cast %get3A_796 : i32 to index
    %get3A_798 = arith.constant 48 : index
    %get3A_799 = tpu.vector_load %arg8[%get3A_797, %get3A_798] {strides = array<i32>} : memref<4x128xf32, #tpu.memory_space<vmem>>, vector<1x16xf32>,
    %get3A_800 = vector.shape_cast %get3A_799 : vector<1x16xf32> to vector<16xf32>
    %get3A_801 = arith.constant 304 : index
    %get3A_802 = tpu.vector_load %arg9[%get3A_801] {strides = array<i32>} : memref<512xf32, #tpu.memory_space<vmem>>, vector<16xf32>,
    %get3A_803 = vector.shape_cast %get3A_802 : vector<16xf32> to vector<16xf32>
    %get3A_804 = arith.constant 304 : index
    %get3A_805 = tpu.vector_load %arg10[%get3A_804] {strides = array<i32>} : memref<512xf32, #tpu.memory_space<vmem>>, vector<16xf32>,
    %get3A_806 = vector.shape_cast %get3A_805 : vector<16xf32> to vector<16xf32>
    %neg3A_807 = arith.constant 0.000000e+00 : f32
    %neg3A_808 = vector.broadcast %neg3A_807 : f32 to vector<16xf32>
    %neg3A_809 = arith.subf %neg3A_808, %get3A_800 : vector<16xf32>
    %exp3A_810 = math.exp %neg3A_809 : vector<16xf32>
    %add3A_811 = arith.constant 1.000000e+00 : f32
    %add3A_812 = vector.broadcast %add3A_811 : f32 to vector<16xf32>
    %add3A_813 = arith.addf %add3A_812, %exp3A_810 : vector<16xf32>
    %div3A_814 = arith.constant 1.000000e+00 : f32
    %div3A_815 = vector.broadcast %div3A_814 : f32 to vector<16xf32>
    %div3A_816 = arith.divf %div3A_815, %add3A_813 : vector<16xf32>
    %sub3A_817 = arith.constant 5.000000e-01 : f32
    %sub3A_818 = vector.broadcast %sub3A_817 : f32 to vector<16xf32>
    %sub3A_819 = arith.subf %get3A_803, %sub3A_818 : vector<16xf32>
    %mul3A_820 = arith.mulf %div3A_816, %sub3A_819 : vector<16xf32>
    %sub3A_821 = arith.constant 5.000000e-01 : f32
    %sub3A_822 = vector.broadcast %sub3A_821 : f32 to vector<16xf32>
    %sub3A_823 = arith.subf %sub3A_822, %get3A_806 : vector<16xf32>
    %add3A_824 = arith.addf %mul3A_820, %sub3A_823 : vector<16xf32>
    %mul3A_825 = arith.mulf %add3A_824, %add3A_824 : vector<16xf32>
    %add3A_826 = arith.addf %add3A_795, %mul3A_825 : vector<16xf32>
    %mul3A_827 = arith.constant 3.000000e-01 : f32
    %mul3A_828 = vector.broadcast %mul3A_827 : f32 to vector<16xf32>
    %mul3A_829 = arith.mulf %mul3A_828, %div3A_816 : vector<16xf32>
    %sub3A_830 = arith.subf %get3A_803, %get3A_806 : vector<16xf32>
    %abs3A_831 = math.absf %sub3A_830 : vector<16xf32>
    %mul3A_832 = arith.mulf %mul3A_829, %abs3A_831 : vector<16xf32>
    %add3A_833 = arith.addf %add3A_826, %mul3A_832 : vector<16xf32>
    %get3A_834 = arith.constant 2 : i32
    %get3A_835 = arith.index_cast %get3A_834 : i32 to index
    %get3A_836 = arith.constant 64 : index
    %get3A_837 = tpu.vector_load %arg8[%get3A_835, %get3A_836] {strides = array<i32>} : memref<4x128xf32, #tpu.memory_space<vmem>>, vector<1x16xf32>,
    %get3A_838 = vector.shape_cast %get3A_837 : vector<1x16xf32> to vector<16xf32>
    %get3A_839 = arith.constant 320 : index
    %get3A_840 = tpu.vector_load %arg9[%get3A_839] {strides = array<i32>} : memref<512xf32, #tpu.memory_space<vmem>>, vector<16xf32>,
    %get3A_841 = vector.shape_cast %get3A_840 : vector<16xf32> to vector<16xf32>
    %get3A_842 = arith.constant 320 : index
    %get3A_843 = tpu.vector_load %arg10[%get3A_842] {strides = array<i32>} : memref<512xf32, #tpu.memory_space<vmem>>, vector<16xf32>,
    %get3A_844 = vector.shape_cast %get3A_843 : vector<16xf32> to vector<16xf32>
    %neg3A_845 = arith.constant 0.000000e+00 : f32
    %neg3A_846 = vector.broadcast %neg3A_845 : f32 to vector<16xf32>
    %neg3A_847 = arith.subf %neg3A_846, %get3A_838 : vector<16xf32>
    %exp3A_848 = math.exp %neg3A_847 : vector<16xf32>
    %add3A_849 = arith.constant 1.000000e+00 : f32
    %add3A_850 = vector.broadcast %add3A_849 : f32 to vector<16xf32>
    %add3A_851 = arith.addf %add3A_850, %exp3A_848 : vector<16xf32>
    %div3A_852 = arith.constant 1.000000e+00 : f32
    %div3A_853 = vector.broadcast %div3A_852 : f32 to vector<16xf32>
    %div3A_854 = arith.divf %div3A_853, %add3A_851 : vector<16xf32>
    %sub3A_855 = arith.constant 5.000000e-01 : f32
    %sub3A_856 = vector.broadcast %sub3A_855 : f32 to vector<16xf32>
    %sub3A_857 = arith.subf %get3A_841, %sub3A_856 : vector<16xf32>
    %mul3A_858 = arith.mulf %div3A_854, %sub3A_857 : vector<16xf32>
    %sub3A_859 = arith.constant 5.000000e-01 : f32
    %sub3A_860 = vector.broadcast %sub3A_859 : f32 to vector<16xf32>
    %sub3A_861 = arith.subf %sub3A_860, %get3A_844 : vector<16xf32>
    %add3A_862 = arith.addf %mul3A_858, %sub3A_861 : vector<16xf32>
    %mul3A_863 = arith.mulf %add3A_862, %add3A_862 : vector<16xf32>
    %add3A_864 = arith.addf %add3A_833, %mul3A_863 : vector<16xf32>
    %mul3A_865 = arith.constant 3.000000e-01 : f32
    %mul3A_866 = vector.broadcast %mul3A_865 : f32 to vector<16xf32>
    %mul3A_867 = arith.mulf %mul3A_866, %div3A_854 : vector<16xf32>
    %sub3A_868 = arith.subf %get3A_841, %get3A_844 : vector<16xf32>
    %abs3A_869 = math.absf %sub3A_868 : vector<16xf32>
    %mul3A_870 = arith.mulf %mul3A_867, %abs3A_869 : vector<16xf32>
    %add3A_871 = arith.addf %add3A_864, %mul3A_870 : vector<16xf32>
    %get3A_872 = arith.constant 2 : i32
    %get3A_873 = arith.index_cast %get3A_872 : i32 to index
    %get3A_874 = arith.constant 80 : index
    %get3A_875 = tpu.vector_load %arg8[%get3A_873, %get3A_874] {strides = array<i32>} : memref<4x128xf32, #tpu.memory_space<vmem>>, vector<1x16xf32>,
    %get3A_876 = vector.shape_cast %get3A_875 : vector<1x16xf32> to vector<16xf32>
    %get3A_877 = arith.constant 336 : index
    %get3A_878 = tpu.vector_load %arg9[%get3A_877] {strides = array<i32>} : memref<512xf32, #tpu.memory_space<vmem>>, vector<16xf32>,
    %get3A_879 = vector.shape_cast %get3A_878 : vector<16xf32> to vector<16xf32>
    %get3A_880 = arith.constant 336 : index
    %get3A_881 = tpu.vector_load %arg10[%get3A_880] {strides = array<i32>} : memref<512xf32, #tpu.memory_space<vmem>>, vector<16xf32>,
    %get3A_882 = vector.shape_cast %get3A_881 : vector<16xf32> to vector<16xf32>
    %neg3A_883 = arith.constant 0.000000e+00 : f32
    %neg3A_884 = vector.broadcast %neg3A_883 : f32 to vector<16xf32>
    %neg3A_885 = arith.subf %neg3A_884, %get3A_876 : vector<16xf32>
    %exp3A_886 = math.exp %neg3A_885 : vector<16xf32>
    %add3A_887 = arith.constant 1.000000e+00 : f32
    %add3A_888 = vector.broadcast %add3A_887 : f32 to vector<16xf32>
    %add3A_889 = arith.addf %add3A_888, %exp3A_886 : vector<16xf32>
    %div3A_890 = arith.constant 1.000000e+00 : f32
    %div3A_891 = vector.broadcast %div3A_890 : f32 to vector<16xf32>
    %div3A_892 = arith.divf %div3A_891, %add3A_889 : vector<16xf32>
    %sub3A_893 = arith.constant 5.000000e-01 : f32
    %sub3A_894 = vector.broadcast %sub3A_893 : f32 to vector<16xf32>
    %sub3A_895 = arith.subf %get3A_879, %sub3A_894 : vector<16xf32>
    %mul3A_896 = arith.mulf %div3A_892, %sub3A_895 : vector<16xf32>
    %sub3A_897 = arith.constant 5.000000e-01 : f32
    %sub3A_898 = vector.broadcast %sub3A_897 : f32 to vector<16xf32>
    %sub3A_899 = arith.subf %sub3A_898, %get3A_882 : vector<16xf32>
    %add3A_900 = arith.addf %mul3A_896, %sub3A_899 : vector<16xf32>
    %mul3A_901 = arith.mulf %add3A_900, %add3A_900 : vector<16xf32>
    %add3A_902 = arith.addf %add3A_871, %mul3A_901 : vector<16xf32>
    %mul3A_903 = arith.constant 3.000000e-01 : f32
    %mul3A_904 = vector.broadcast %mul3A_903 : f32 to vector<16xf32>
    %mul3A_905 = arith.mulf %mul3A_904, %div3A_892 : vector<16xf32>
    %sub3A_906 = arith.subf %get3A_879, %get3A_882 : vector<16xf32>
    %abs3A_907 = math.absf %sub3A_906 : vector<16xf32>
    %mul3A_908 = arith.mulf %mul3A_905, %abs3A_907 : vector<16xf32>
    %add3A_909 = arith.addf %add3A_902, %mul3A_908 : vector<16xf32>
    %get3A_910 = arith.constant 2 : i32
    %get3A_911 = arith.index_cast %get3A_910 : i32 to index
    %get3A_912 = arith.constant 96 : index
    %get3A_913 = tpu.vector_load %arg8[%get3A_911, %get3A_912] {strides = array<i32>} : memref<4x128xf32, #tpu.memory_space<vmem>>, vector<1x16xf32>,
    %get3A_914 = vector.shape_cast %get3A_913 : vector<1x16xf32> to vector<16xf32>
    %get3A_915 = arith.constant 352 : index
    %get3A_916 = tpu.vector_load %arg9[%get3A_915] {strides = array<i32>} : memref<512xf32, #tpu.memory_space<vmem>>, vector<16xf32>,
    %get3A_917 = vector.shape_cast %get3A_916 : vector<16xf32> to vector<16xf32>
    %get3A_918 = arith.constant 352 : index
    %get3A_919 = tpu.vector_load %arg10[%get3A_918] {strides = array<i32>} : memref<512xf32, #tpu.memory_space<vmem>>, vector<16xf32>,
    %get3A_920 = vector.shape_cast %get3A_919 : vector<16xf32> to vector<16xf32>
    %neg3A_921 = arith.constant 0.000000e+00 : f32
    %neg3A_922 = vector.broadcast %neg3A_921 : f32 to vector<16xf32>
    %neg3A_923 = arith.subf %neg3A_922, %get3A_914 : vector<16xf32>
    %exp3A_924 = math.exp %neg3A_923 : vector<16xf32>
    %add3A_925 = arith.constant 1.000000e+00 : f32
    %add3A_926 = vector.broadcast %add3A_925 : f32 to vector<16xf32>
    %add3A_927 = arith.addf %add3A_926, %exp3A_924 : vector<16xf32>
    %div3A_928 = arith.constant 1.000000e+00 : f32
    %div3A_929 = vector.broadcast %div3A_928 : f32 to vector<16xf32>
    %div3A_930 = arith.divf %div3A_929, %add3A_927 : vector<16xf32>
    %sub3A_931 = arith.constant 5.000000e-01 : f32
    %sub3A_932 = vector.broadcast %sub3A_931 : f32 to vector<16xf32>
    %sub3A_933 = arith.subf %get3A_917, %sub3A_932 : vector<16xf32>
    %mul3A_934 = arith.mulf %div3A_930, %sub3A_933 : vector<16xf32>
    %sub3A_935 = arith.constant 5.000000e-01 : f32
    %sub3A_936 = vector.broadcast %sub3A_935 : f32 to vector<16xf32>
    %sub3A_937 = arith.subf %sub3A_936, %get3A_920 : vector<16xf32>
    %add3A_938 = arith.addf %mul3A_934, %sub3A_937 : vector<16xf32>
    %mul3A_939 = arith.mulf %add3A_938, %add3A_938 : vector<16xf32>
    %add3A_940 = arith.addf %add3A_909, %mul3A_939 : vector<16xf32>
    %mul3A_941 = arith.constant 3.000000e-01 : f32
    %mul3A_942 = vector.broadcast %mul3A_941 : f32 to vector<16xf32>
    %mul3A_943 = arith.mulf %mul3A_942, %div3A_930 : vector<16xf32>
    %sub3A_944 = arith.subf %get3A_917, %get3A_920 : vector<16xf32>
    %abs3A_945 = math.absf %sub3A_944 : vector<16xf32>
    %mul3A_946 = arith.mulf %mul3A_943, %abs3A_945 : vector<16xf32>
    %add3A_947 = arith.addf %add3A_940, %mul3A_946 : vector<16xf32>
    %get3A_948 = arith.constant 2 : i32
    %get3A_949 = arith.index_cast %get3A_948 : i32 to index
    %get3A_950 = arith.constant 112 : index
    %get3A_951 = tpu.vector_load %arg8[%get3A_949, %get3A_950] {strides = array<i32>} : memref<4x128xf32, #tpu.memory_space<vmem>>, vector<1x16xf32>,
    %get3A_952 = vector.shape_cast %get3A_951 : vector<1x16xf32> to vector<16xf32>
    %get3A_953 = arith.constant 368 : index
    %get3A_954 = tpu.vector_load %arg9[%get3A_953] {strides = array<i32>} : memref<512xf32, #tpu.memory_space<vmem>>, vector<16xf32>,
    %get3A_955 = vector.shape_cast %get3A_954 : vector<16xf32> to vector<16xf32>
    %get3A_956 = arith.constant 368 : index
    %get3A_957 = tpu.vector_load %arg10[%get3A_956] {strides = array<i32>} : memref<512xf32, #tpu.memory_space<vmem>>, vector<16xf32>,
    %get3A_958 = vector.shape_cast %get3A_957 : vector<16xf32> to vector<16xf32>
    %neg3A_959 = arith.constant 0.000000e+00 : f32
    %neg3A_960 = vector.broadcast %neg3A_959 : f32 to vector<16xf32>
    %neg3A_961 = arith.subf %neg3A_960, %get3A_952 : vector<16xf32>
    %exp3A_962 = math.exp %neg3A_961 : vector<16xf32>
    %add3A_963 = arith.constant 1.000000e+00 : f32
    %add3A_964 = vector.broadcast %add3A_963 : f32 to vector<16xf32>
    %add3A_965 = arith.addf %add3A_964, %exp3A_962 : vector<16xf32>
    %div3A_966 = arith.constant 1.000000e+00 : f32
    %div3A_967 = vector.broadcast %div3A_966 : f32 to vector<16xf32>
    %div3A_968 = arith.divf %div3A_967, %add3A_965 : vector<16xf32>
    %sub3A_969 = arith.constant 5.000000e-01 : f32
    %sub3A_970 = vector.broadcast %sub3A_969 : f32 to vector<16xf32>
    %sub3A_971 = arith.subf %get3A_955, %sub3A_970 : vector<16xf32>
    %mul3A_972 = arith.mulf %div3A_968, %sub3A_971 : vector<16xf32>
    %sub3A_973 = arith.constant 5.000000e-01 : f32
    %sub3A_974 = vector.broadcast %sub3A_973 : f32 to vector<16xf32>
    %sub3A_975 = arith.subf %sub3A_974, %get3A_958 : vector<16xf32>
    %add3A_976 = arith.addf %mul3A_972, %sub3A_975 : vector<16xf32>
    %mul3A_977 = arith.mulf %add3A_976, %add3A_976 : vector<16xf32>
    %add3A_978 = arith.addf %add3A_947, %mul3A_977 : vector<16xf32>
    %mul3A_979 = arith.constant 3.000000e-01 : f32
    %mul3A_980 = vector.broadcast %mul3A_979 : f32 to vector<16xf32>
    %mul3A_981 = arith.mulf %mul3A_980, %div3A_968 : vector<16xf32>
    %sub3A_982 = arith.subf %get3A_955, %get3A_958 : vector<16xf32>
    %abs3A_983 = math.absf %sub3A_982 : vector<16xf32>
    %mul3A_984 = arith.mulf %mul3A_981, %abs3A_983 : vector<16xf32>
    %add3A_985 = arith.addf %add3A_978, %mul3A_984 : vector<16xf32>
    %get3A_986 = arith.constant 3 : i32
    %get3A_987 = arith.index_cast %get3A_986 : i32 to index
    %get3A_988 = arith.constant 0 : index
    %get3A_989 = tpu.vector_load %arg8[%get3A_987, %get3A_988] {strides = array<i32>} : memref<4x128xf32, #tpu.memory_space<vmem>>, vector<1x16xf32>,
    %get3A_990 = vector.shape_cast %get3A_989 : vector<1x16xf32> to vector<16xf32>
    %get3A_991 = arith.constant 384 : index
    %get3A_992 = tpu.vector_load %arg9[%get3A_991] {strides = array<i32>} : memref<512xf32, #tpu.memory_space<vmem>>, vector<16xf32>,
    %get3A_993 = vector.shape_cast %get3A_992 : vector<16xf32> to vector<16xf32>
    %get3A_994 = arith.constant 384 : index
    %get3A_995 = tpu.vector_load %arg10[%get3A_994] {strides = array<i32>} : memref<512xf32, #tpu.memory_space<vmem>>, vector<16xf32>,
    %get3A_996 = vector.shape_cast %get3A_995 : vector<16xf32> to vector<16xf32>
    %neg3A_997 = arith.constant 0.000000e+00 : f32
    %neg3A_998 = vector.broadcast %neg3A_997 : f32 to vector<16xf32>
    %neg3A_999 = arith.subf %neg3A_998, %get3A_990 : vector<16xf32>
    %exp3A_1000 = math.exp %neg3A_999 : vector<16xf32>
    %add3A_1001 = arith.constant 1.000000e+00 : f32
    %add3A_1002 = vector.broadcast %add3A_1001 : f32 to vector<16xf32>
    %add3A_1003 = arith.addf %add3A_1002, %exp3A_1000 : vector<16xf32>
    %div3A_1004 = arith.constant 1.000000e+00 : f32
    %div3A_1005 = vector.broadcast %div3A_1004 : f32 to vector<16xf32>
    %div3A_1006 = arith.divf %div3A_1005, %add3A_1003 : vector<16xf32>
    %sub3A_1007 = arith.constant 5.000000e-01 : f32
    %sub3A_1008 = vector.broadcast %sub3A_1007 : f32 to vector<16xf32>
    %sub3A_1009 = arith.subf %get3A_993, %sub3A_1008 : vector<16xf32>
    %mul3A_1010 = arith.mulf %div3A_1006, %sub3A_1009 : vector<16xf32>
    %sub3A_1011 = arith.constant 5.000000e-01 : f32
    %sub3A_1012 = vector.broadcast %sub3A_1011 : f32 to vector<16xf32>
    %sub3A_1013 = arith.subf %sub3A_1012, %get3A_996 : vector<16xf32>
    %add3A_1014 = arith.addf %mul3A_1010, %sub3A_1013 : vector<16xf32>
    %mul3A_1015 = arith.mulf %add3A_1014, %add3A_1014 : vector<16xf32>
    %add3A_1016 = arith.addf %add3A_985, %mul3A_1015 : vector<16xf32>
    %mul3A_1017 = arith.constant 3.000000e-01 : f32
    %mul3A_1018 = vector.broadcast %mul3A_1017 : f32 to vector<16xf32>
    %mul3A_1019 = arith.mulf %mul3A_1018, %div3A_1006 : vector<16xf32>
    %sub3A_1020 = arith.subf %get3A_993, %get3A_996 : vector<16xf32>
    %abs3A_1021 = math.absf %sub3A_1020 : vector<16xf32>
    %mul3A_1022 = arith.mulf %mul3A_1019, %abs3A_1021 : vector<16xf32>
    %add3A_1023 = arith.addf %add3A_1016, %mul3A_1022 : vector<16xf32>
    %get3A_1024 = arith.constant 3 : i32
    %get3A_1025 = arith.index_cast %get3A_1024 : i32 to index
    %get3A_1026 = arith.constant 16 : index
    %get3A_1027 = tpu.vector_load %arg8[%get3A_1025, %get3A_1026] {strides = array<i32>} : memref<4x128xf32, #tpu.memory_space<vmem>>, vector<1x16xf32>,
    %get3A_1028 = vector.shape_cast %get3A_1027 : vector<1x16xf32> to vector<16xf32>
    %get3A_1029 = arith.constant 400 : index
    %get3A_1030 = tpu.vector_load %arg9[%get3A_1029] {strides = array<i32>} : memref<512xf32, #tpu.memory_space<vmem>>, vector<16xf32>,
    %get3A_1031 = vector.shape_cast %get3A_1030 : vector<16xf32> to vector<16xf32>
    %get3A_1032 = arith.constant 400 : index
    %get3A_1033 = tpu.vector_load %arg10[%get3A_1032] {strides = array<i32>} : memref<512xf32, #tpu.memory_space<vmem>>, vector<16xf32>,
    %get3A_1034 = vector.shape_cast %get3A_1033 : vector<16xf32> to vector<16xf32>
    %neg3A_1035 = arith.constant 0.000000e+00 : f32
    %neg3A_1036 = vector.broadcast %neg3A_1035 : f32 to vector<16xf32>
    %neg3A_1037 = arith.subf %neg3A_1036, %get3A_1028 : vector<16xf32>
    %exp3A_1038 = math.exp %neg3A_1037 : vector<16xf32>
    %add3A_1039 = arith.constant 1.000000e+00 : f32
    %add3A_1040 = vector.broadcast %add3A_1039 : f32 to vector<16xf32>
    %add3A_1041 = arith.addf %add3A_1040, %exp3A_1038 : vector<16xf32>
    %div3A_1042 = arith.constant 1.000000e+00 : f32
    %div3A_1043 = vector.broadcast %div3A_1042 : f32 to vector<16xf32>
    %div3A_1044 = arith.divf %div3A_1043, %add3A_1041 : vector<16xf32>
    %sub3A_1045 = arith.constant 5.000000e-01 : f32
    %sub3A_1046 = vector.broadcast %sub3A_1045 : f32 to vector<16xf32>
    %sub3A_1047 = arith.subf %get3A_1031, %sub3A_1046 : vector<16xf32>
    %mul3A_1048 = arith.mulf %div3A_1044, %sub3A_1047 : vector<16xf32>
    %sub3A_1049 = arith.constant 5.000000e-01 : f32
    %sub3A_1050 = vector.broadcast %sub3A_1049 : f32 to vector<16xf32>
    %sub3A_1051 = arith.subf %sub3A_1050, %get3A_1034 : vector<16xf32>
    %add3A_1052 = arith.addf %mul3A_1048, %sub3A_1051 : vector<16xf32>
    %mul3A_1053 = arith.mulf %add3A_1052, %add3A_1052 : vector<16xf32>
    %add3A_1054 = arith.addf %add3A_1023, %mul3A_1053 : vector<16xf32>
    %mul3A_1055 = arith.constant 3.000000e-01 : f32
    %mul3A_1056 = vector.broadcast %mul3A_1055 : f32 to vector<16xf32>
    %mul3A_1057 = arith.mulf %mul3A_1056, %div3A_1044 : vector<16xf32>
    %sub3A_1058 = arith.subf %get3A_1031, %get3A_1034 : vector<16xf32>
    %abs3A_1059 = math.absf %sub3A_1058 : vector<16xf32>
    %mul3A_1060 = arith.mulf %mul3A_1057, %abs3A_1059 : vector<16xf32>
    %add3A_1061 = arith.addf %add3A_1054, %mul3A_1060 : vector<16xf32>
    %get3A_1062 = arith.constant 3 : i32
    %get3A_1063 = arith.index_cast %get3A_1062 : i32 to index
    %get3A_1064 = arith.constant 32 : index
    %get3A_1065 = tpu.vector_load %arg8[%get3A_1063, %get3A_1064] {strides = array<i32>} : memref<4x128xf32, #tpu.memory_space<vmem>>, vector<1x16xf32>,
    %get3A_1066 = vector.shape_cast %get3A_1065 : vector<1x16xf32> to vector<16xf32>
    %get3A_1067 = arith.constant 416 : index
    %get3A_1068 = tpu.vector_load %arg9[%get3A_1067] {strides = array<i32>} : memref<512xf32, #tpu.memory_space<vmem>>, vector<16xf32>,
    %get3A_1069 = vector.shape_cast %get3A_1068 : vector<16xf32> to vector<16xf32>
    %get3A_1070 = arith.constant 416 : index
    %get3A_1071 = tpu.vector_load %arg10[%get3A_1070] {strides = array<i32>} : memref<512xf32, #tpu.memory_space<vmem>>, vector<16xf32>,
    %get3A_1072 = vector.shape_cast %get3A_1071 : vector<16xf32> to vector<16xf32>
    %neg3A_1073 = arith.constant 0.000000e+00 : f32
    %neg3A_1074 = vector.broadcast %neg3A_1073 : f32 to vector<16xf32>
    %neg3A_1075 = arith.subf %neg3A_1074, %get3A_1066 : vector<16xf32>
    %exp3A_1076 = math.exp %neg3A_1075 : vector<16xf32>
    %add3A_1077 = arith.constant 1.000000e+00 : f32
    %add3A_1078 = vector.broadcast %add3A_1077 : f32 to vector<16xf32>
    %add3A_1079 = arith.addf %add3A_1078, %exp3A_1076 : vector<16xf32>
    %div3A_1080 = arith.constant 1.000000e+00 : f32
    %div3A_1081 = vector.broadcast %div3A_1080 : f32 to vector<16xf32>
    %div3A_1082 = arith.divf %div3A_1081, %add3A_1079 : vector<16xf32>
    %sub3A_1083 = arith.constant 5.000000e-01 : f32
    %sub3A_1084 = vector.broadcast %sub3A_1083 : f32 to vector<16xf32>
    %sub3A_1085 = arith.subf %get3A_1069, %sub3A_1084 : vector<16xf32>
    %mul3A_1086 = arith.mulf %div3A_1082, %sub3A_1085 : vector<16xf32>
    %sub3A_1087 = arith.constant 5.000000e-01 : f32
    %sub3A_1088 = vector.broadcast %sub3A_1087 : f32 to vector<16xf32>
    %sub3A_1089 = arith.subf %sub3A_1088, %get3A_1072 : vector<16xf32>
    %add3A_1090 = arith.addf %mul3A_1086, %sub3A_1089 : vector<16xf32>
    %mul3A_1091 = arith.mulf %add3A_1090, %add3A_1090 : vector<16xf32>
    %add3A_1092 = arith.addf %add3A_1061, %mul3A_1091 : vector<16xf32>
    %mul3A_1093 = arith.constant 3.000000e-01 : f32
    %mul3A_1094 = vector.broadcast %mul3A_1093 : f32 to vector<16xf32>
    %mul3A_1095 = arith.mulf %mul3A_1094, %div3A_1082 : vector<16xf32>
    %sub3A_1096 = arith.subf %get3A_1069, %get3A_1072 : vector<16xf32>
    %abs3A_1097 = math.absf %sub3A_1096 : vector<16xf32>
    %mul3A_1098 = arith.mulf %mul3A_1095, %abs3A_1097 : vector<16xf32>
    %add3A_1099 = arith.addf %add3A_1092, %mul3A_1098 : vector<16xf32>
    %get3A_1100 = arith.constant 3 : i32
    %get3A_1101 = arith.index_cast %get3A_1100 : i32 to index
    %get3A_1102 = arith.constant 48 : index
    %get3A_1103 = tpu.vector_load %arg8[%get3A_1101, %get3A_1102] {strides = array<i32>} : memref<4x128xf32, #tpu.memory_space<vmem>>, vector<1x16xf32>,
    %get3A_1104 = vector.shape_cast %get3A_1103 : vector<1x16xf32> to vector<16xf32>
    %get3A_1105 = arith.constant 432 : index
    %get3A_1106 = tpu.vector_load %arg9[%get3A_1105] {strides = array<i32>} : memref<512xf32, #tpu.memory_space<vmem>>, vector<16xf32>,
    %get3A_1107 = vector.shape_cast %get3A_1106 : vector<16xf32> to vector<16xf32>
    %get3A_1108 = arith.constant 432 : index
    %get3A_1109 = tpu.vector_load %arg10[%get3A_1108] {strides = array<i32>} : memref<512xf32, #tpu.memory_space<vmem>>, vector<16xf32>,
    %get3A_1110 = vector.shape_cast %get3A_1109 : vector<16xf32> to vector<16xf32>
    %neg3A_1111 = arith.constant 0.000000e+00 : f32
    %neg3A_1112 = vector.broadcast %neg3A_1111 : f32 to vector<16xf32>
    %neg3A_1113 = arith.subf %neg3A_1112, %get3A_1104 : vector<16xf32>
    %exp3A_1114 = math.exp %neg3A_1113 : vector<16xf32>
    %add3A_1115 = arith.constant 1.000000e+00 : f32
    %add3A_1116 = vector.broadcast %add3A_1115 : f32 to vector<16xf32>
    %add3A_1117 = arith.addf %add3A_1116, %exp3A_1114 : vector<16xf32>
    %div3A_1118 = arith.constant 1.000000e+00 : f32
    %div3A_1119 = vector.broadcast %div3A_1118 : f32 to vector<16xf32>
    %div3A_1120 = arith.divf %div3A_1119, %add3A_1117 : vector<16xf32>
    %sub3A_1121 = arith.constant 5.000000e-01 : f32
    %sub3A_1122 = vector.broadcast %sub3A_1121 : f32 to vector<16xf32>
    %sub3A_1123 = arith.subf %get3A_1107, %sub3A_1122 : vector<16xf32>
    %mul3A_1124 = arith.mulf %div3A_1120, %sub3A_1123 : vector<16xf32>
    %sub3A_1125 = arith.constant 5.000000e-01 : f32
    %sub3A_1126 = vector.broadcast %sub3A_1125 : f32 to vector<16xf32>
    %sub3A_1127 = arith.subf %sub3A_1126, %get3A_1110 : vector<16xf32>
    %add3A_1128 = arith.addf %mul3A_1124, %sub3A_1127 : vector<16xf32>
    %mul3A_1129 = arith.mulf %add3A_1128, %add3A_1128 : vector<16xf32>
    %add3A_1130 = arith.addf %add3A_1099, %mul3A_1129 : vector<16xf32>
    %mul3A_1131 = arith.constant 3.000000e-01 : f32
    %mul3A_1132 = vector.broadcast %mul3A_1131 : f32 to vector<16xf32>
    %mul3A_1133 = arith.mulf %mul3A_1132, %div3A_1120 : vector<16xf32>
    %sub3A_1134 = arith.subf %get3A_1107, %get3A_1110 : vector<16xf32>
    %abs3A_1135 = math.absf %sub3A_1134 : vector<16xf32>
    %mul3A_1136 = arith.mulf %mul3A_1133, %abs3A_1135 : vector<16xf32>
    %add3A_1137 = arith.addf %add3A_1130, %mul3A_1136 : vector<16xf32>
    %get3A_1138 = arith.constant 3 : i32
    %get3A_1139 = arith.index_cast %get3A_1138 : i32 to index
    %get3A_1140 = arith.constant 64 : index
    %get3A_1141 = tpu.vector_load %arg8[%get3A_1139, %get3A_1140] {strides = array<i32>} : memref<4x128xf32, #tpu.memory_space<vmem>>, vector<1x16xf32>,
    %get3A_1142 = vector.shape_cast %get3A_1141 : vector<1x16xf32> to vector<16xf32>
    %get3A_1143 = arith.constant 448 : index
    %get3A_1144 = tpu.vector_load %arg9[%get3A_1143] {strides = array<i32>} : memref<512xf32, #tpu.memory_space<vmem>>, vector<16xf32>,
    %get3A_1145 = vector.shape_cast %get3A_1144 : vector<16xf32> to vector<16xf32>
    %get3A_1146 = arith.constant 448 : index
    %get3A_1147 = tpu.vector_load %arg10[%get3A_1146] {strides = array<i32>} : memref<512xf32, #tpu.memory_space<vmem>>, vector<16xf32>,
    %get3A_1148 = vector.shape_cast %get3A_1147 : vector<16xf32> to vector<16xf32>
    %neg3A_1149 = arith.constant 0.000000e+00 : f32
    %neg3A_1150 = vector.broadcast %neg3A_1149 : f32 to vector<16xf32>
    %neg3A_1151 = arith.subf %neg3A_1150, %get3A_1142 : vector<16xf32>
    %exp3A_1152 = math.exp %neg3A_1151 : vector<16xf32>
    %add3A_1153 = arith.constant 1.000000e+00 : f32
    %add3A_1154 = vector.broadcast %add3A_1153 : f32 to vector<16xf32>
    %add3A_1155 = arith.addf %add3A_1154, %exp3A_1152 : vector<16xf32>
    %div3A_1156 = arith.constant 1.000000e+00 : f32
    %div3A_1157 = vector.broadcast %div3A_1156 : f32 to vector<16xf32>
    %div3A_1158 = arith.divf %div3A_1157, %add3A_1155 : vector<16xf32>
    %sub3A_1159 = arith.constant 5.000000e-01 : f32
    %sub3A_1160 = vector.broadcast %sub3A_1159 : f32 to vector<16xf32>
    %sub3A_1161 = arith.subf %get3A_1145, %sub3A_1160 : vector<16xf32>
    %mul3A_1162 = arith.mulf %div3A_1158, %sub3A_1161 : vector<16xf32>
    %sub3A_1163 = arith.constant 5.000000e-01 : f32
    %sub3A_1164 = vector.broadcast %sub3A_1163 : f32 to vector<16xf32>
    %sub3A_1165 = arith.subf %sub3A_1164, %get3A_1148 : vector<16xf32>
    %add3A_1166 = arith.addf %mul3A_1162, %sub3A_1165 : vector<16xf32>
    %mul3A_1167 = arith.mulf %add3A_1166, %add3A_1166 : vector<16xf32>
    %add3A_1168 = arith.addf %add3A_1137, %mul3A_1167 : vector<16xf32>
    %mul3A_1169 = arith.constant 3.000000e-01 : f32
    %mul3A_1170 = vector.broadcast %mul3A_1169 : f32 to vector<16xf32>
    %mul3A_1171 = arith.mulf %mul3A_1170, %div3A_1158 : vector<16xf32>
    %sub3A_1172 = arith.subf %get3A_1145, %get3A_1148 : vector<16xf32>
    %abs3A_1173 = math.absf %sub3A_1172 : vector<16xf32>
    %mul3A_1174 = arith.mulf %mul3A_1171, %abs3A_1173 : vector<16xf32>
    %add3A_1175 = arith.addf %add3A_1168, %mul3A_1174 : vector<16xf32>
    %get3A_1176 = arith.constant 3 : i32
    %get3A_1177 = arith.index_cast %get3A_1176 : i32 to index
    %get3A_1178 = arith.constant 80 : index
    %get3A_1179 = tpu.vector_load %arg8[%get3A_1177, %get3A_1178] {strides = array<i32>} : memref<4x128xf32, #tpu.memory_space<vmem>>, vector<1x16xf32>,
    %get3A_1180 = vector.shape_cast %get3A_1179 : vector<1x16xf32> to vector<16xf32>
    %get3A_1181 = arith.constant 464 : index
    %get3A_1182 = tpu.vector_load %arg9[%get3A_1181] {strides = array<i32>} : memref<512xf32, #tpu.memory_space<vmem>>, vector<16xf32>,
    %get3A_1183 = vector.shape_cast %get3A_1182 : vector<16xf32> to vector<16xf32>
    %get3A_1184 = arith.constant 464 : index
    %get3A_1185 = tpu.vector_load %arg10[%get3A_1184] {strides = array<i32>} : memref<512xf32, #tpu.memory_space<vmem>>, vector<16xf32>,
    %get3A_1186 = vector.shape_cast %get3A_1185 : vector<16xf32> to vector<16xf32>
    %neg3A_1187 = arith.constant 0.000000e+00 : f32
    %neg3A_1188 = vector.broadcast %neg3A_1187 : f32 to vector<16xf32>
    %neg3A_1189 = arith.subf %neg3A_1188, %get3A_1180 : vector<16xf32>
    %exp3A_1190 = math.exp %neg3A_1189 : vector<16xf32>
    %add3A_1191 = arith.constant 1.000000e+00 : f32
    %add3A_1192 = vector.broadcast %add3A_1191 : f32 to vector<16xf32>
    %add3A_1193 = arith.addf %add3A_1192, %exp3A_1190 : vector<16xf32>
    %div3A_1194 = arith.constant 1.000000e+00 : f32
    %div3A_1195 = vector.broadcast %div3A_1194 : f32 to vector<16xf32>
    %div3A_1196 = arith.divf %div3A_1195, %add3A_1193 : vector<16xf32>
    %sub3A_1197 = arith.constant 5.000000e-01 : f32
    %sub3A_1198 = vector.broadcast %sub3A_1197 : f32 to vector<16xf32>
    %sub3A_1199 = arith.subf %get3A_1183, %sub3A_1198 : vector<16xf32>
    %mul3A_1200 = arith.mulf %div3A_1196, %sub3A_1199 : vector<16xf32>
    %sub3A_1201 = arith.constant 5.000000e-01 : f32
    %sub3A_1202 = vector.broadcast %sub3A_1201 : f32 to vector<16xf32>
    %sub3A_1203 = arith.subf %sub3A_1202, %get3A_1186 : vector<16xf32>
    %add3A_1204 = arith.addf %mul3A_1200, %sub3A_1203 : vector<16xf32>
    %mul3A_1205 = arith.mulf %add3A_1204, %add3A_1204 : vector<16xf32>
    %add3A_1206 = arith.addf %add3A_1175, %mul3A_1205 : vector<16xf32>
    %mul3A_1207 = arith.constant 3.000000e-01 : f32
    %mul3A_1208 = vector.broadcast %mul3A_1207 : f32 to vector<16xf32>
    %mul3A_1209 = arith.mulf %mul3A_1208, %div3A_1196 : vector<16xf32>
    %sub3A_1210 = arith.subf %get3A_1183, %get3A_1186 : vector<16xf32>
    %abs3A_1211 = math.absf %sub3A_1210 : vector<16xf32>
    %mul3A_1212 = arith.mulf %mul3A_1209, %abs3A_1211 : vector<16xf32>
    %add3A_1213 = arith.addf %add3A_1206, %mul3A_1212 : vector<16xf32>
    %get3A_1214 = arith.constant 3 : i32
    %get3A_1215 = arith.index_cast %get3A_1214 : i32 to index
    %get3A_1216 = arith.constant 96 : index
    %get3A_1217 = tpu.vector_load %arg8[%get3A_1215, %get3A_1216] {strides = array<i32>} : memref<4x128xf32, #tpu.memory_space<vmem>>, vector<1x16xf32>,
    %get3A_1218 = vector.shape_cast %get3A_1217 : vector<1x16xf32> to vector<16xf32>
    %get3A_1219 = arith.constant 480 : index
    %get3A_1220 = tpu.vector_load %arg9[%get3A_1219] {strides = array<i32>} : memref<512xf32, #tpu.memory_space<vmem>>, vector<16xf32>,
    %get3A_1221 = vector.shape_cast %get3A_1220 : vector<16xf32> to vector<16xf32>
    %get3A_1222 = arith.constant 480 : index
    %get3A_1223 = tpu.vector_load %arg10[%get3A_1222] {strides = array<i32>} : memref<512xf32, #tpu.memory_space<vmem>>, vector<16xf32>,
    %get3A_1224 = vector.shape_cast %get3A_1223 : vector<16xf32> to vector<16xf32>
    %neg3A_1225 = arith.constant 0.000000e+00 : f32
    %neg3A_1226 = vector.broadcast %neg3A_1225 : f32 to vector<16xf32>
    %neg3A_1227 = arith.subf %neg3A_1226, %get3A_1218 : vector<16xf32>
    %exp3A_1228 = math.exp %neg3A_1227 : vector<16xf32>
    %add3A_1229 = arith.constant 1.000000e+00 : f32
    %add3A_1230 = vector.broadcast %add3A_1229 : f32 to vector<16xf32>
    %add3A_1231 = arith.addf %add3A_1230, %exp3A_1228 : vector<16xf32>
    %div3A_1232 = arith.constant 1.000000e+00 : f32
    %div3A_1233 = vector.broadcast %div3A_1232 : f32 to vector<16xf32>
    %div3A_1234 = arith.divf %div3A_1233, %add3A_1231 : vector<16xf32>
    %sub3A_1235 = arith.constant 5.000000e-01 : f32
    %sub3A_1236 = vector.broadcast %sub3A_1235 : f32 to vector<16xf32>
    %sub3A_1237 = arith.subf %get3A_1221, %sub3A_1236 : vector<16xf32>
    %mul3A_1238 = arith.mulf %div3A_1234, %sub3A_1237 : vector<16xf32>
    %sub3A_1239 = arith.constant 5.000000e-01 : f32
    %sub3A_1240 = vector.broadcast %sub3A_1239 : f32 to vector<16xf32>
    %sub3A_1241 = arith.subf %sub3A_1240, %get3A_1224 : vector<16xf32>
    %add3A_1242 = arith.addf %mul3A_1238, %sub3A_1241 : vector<16xf32>
    %mul3A_1243 = arith.mulf %add3A_1242, %add3A_1242 : vector<16xf32>
    %add3A_1244 = arith.addf %add3A_1213, %mul3A_1243 : vector<16xf32>
    %mul3A_1245 = arith.constant 3.000000e-01 : f32
    %mul3A_1246 = vector.broadcast %mul3A_1245 : f32 to vector<16xf32>
    %mul3A_1247 = arith.mulf %mul3A_1246, %div3A_1234 : vector<16xf32>
    %sub3A_1248 = arith.subf %get3A_1221, %get3A_1224 : vector<16xf32>
    %abs3A_1249 = math.absf %sub3A_1248 : vector<16xf32>
    %mul3A_1250 = arith.mulf %mul3A_1247, %abs3A_1249 : vector<16xf32>
    %add3A_1251 = arith.addf %add3A_1244, %mul3A_1250 : vector<16xf32>
    %get3A_1252 = arith.constant 3 : i32
    %get3A_1253 = arith.index_cast %get3A_1252 : i32 to index
    %get3A_1254 = arith.constant 112 : index
    %get3A_1255 = tpu.vector_load %arg8[%get3A_1253, %get3A_1254] {strides = array<i32>} : memref<4x128xf32, #tpu.memory_space<vmem>>, vector<1x16xf32>,
    %get3A_1256 = vector.shape_cast %get3A_1255 : vector<1x16xf32> to vector<16xf32>
    %get3A_1257 = arith.constant 496 : index
    %get3A_1258 = tpu.vector_load %arg9[%get3A_1257] {strides = array<i32>} : memref<512xf32, #tpu.memory_space<vmem>>, vector<16xf32>,
    %get3A_1259 = vector.shape_cast %get3A_1258 : vector<16xf32> to vector<16xf32>
    %get3A_1260 = arith.constant 496 : index
    %get3A_1261 = tpu.vector_load %arg10[%get3A_1260] {strides = array<i32>} : memref<512xf32, #tpu.memory_space<vmem>>, vector<16xf32>,
    %get3A_1262 = vector.shape_cast %get3A_1261 : vector<16xf32> to vector<16xf32>
    %neg3A_1263 = arith.constant 0.000000e+00 : f32
    %neg3A_1264 = vector.broadcast %neg3A_1263 : f32 to vector<16xf32>
    %neg3A_1265 = arith.subf %neg3A_1264, %get3A_1256 : vector<16xf32>
    %exp3A_1266 = math.exp %neg3A_1265 : vector<16xf32>
    %add3A_1267 = arith.constant 1.000000e+00 : f32
    %add3A_1268 = vector.broadcast %add3A_1267 : f32 to vector<16xf32>
    %add3A_1269 = arith.addf %add3A_1268, %exp3A_1266 : vector<16xf32>
    %div3A_1270 = arith.constant 1.000000e+00 : f32
    %div3A_1271 = vector.broadcast %div3A_1270 : f32 to vector<16xf32>
    %div3A_1272 = arith.divf %div3A_1271, %add3A_1269 : vector<16xf32>
    %sub3A_1273 = arith.constant 5.000000e-01 : f32
    %sub3A_1274 = vector.broadcast %sub3A_1273 : f32 to vector<16xf32>
    %sub3A_1275 = arith.subf %get3A_1259, %sub3A_1274 : vector<16xf32>
    %mul3A_1276 = arith.mulf %div3A_1272, %sub3A_1275 : vector<16xf32>
    %sub3A_1277 = arith.constant 5.000000e-01 : f32
    %sub3A_1278 = vector.broadcast %sub3A_1277 : f32 to vector<16xf32>
    %sub3A_1279 = arith.subf %sub3A_1278, %get3A_1262 : vector<16xf32>
    %add3A_1280 = arith.addf %mul3A_1276, %sub3A_1279 : vector<16xf32>
    %mul3A_1281 = arith.mulf %add3A_1280, %add3A_1280 : vector<16xf32>
    %add3A_1282 = arith.addf %add3A_1251, %mul3A_1281 : vector<16xf32>
    %mul3A_1283 = arith.constant 3.000000e-01 : f32
    %mul3A_1284 = vector.broadcast %mul3A_1283 : f32 to vector<16xf32>
    %mul3A_1285 = arith.mulf %mul3A_1284, %div3A_1272 : vector<16xf32>
    %sub3A_1286 = arith.subf %get3A_1259, %get3A_1262 : vector<16xf32>
    %abs3A_1287 = math.absf %sub3A_1286 : vector<16xf32>
    %mul3A_1288 = arith.mulf %mul3A_1285, %abs3A_1287 : vector<16xf32>
    %add3A_1289 = arith.addf %add3A_1282, %mul3A_1288 : vector<16xf32>
    %swap3A = arith.constant 0 : index
    %swap3A_1290 = tpu.vector_load %arg11[%swap3A] {strides = array<i32>} : memref<16xf32, #tpu.memory_space<vmem>>, vector<16xf32>,
    %swap3A_1291 = vector.shape_cast %swap3A_1290 : vector<16xf32> to vector<16xf32>
    %swap3A_1292 = vector.shape_cast %add3A_1289 : vector<16xf32> to vector<16xf32>
    tpu.vector_store %arg11[%swap3A], %swap3A_1292 {strides = array<i32>} : memref<16xf32, #tpu.memory_space<vmem>>, vector<16xf32>,
    "tpu.region"() ({
      %run_scoped3A = tpu.sem_alloc : memref<!tpu.dma_semaphore, #tpu.memory_space<semaphore_mem>>
      %dma_start3A_1293 = arith.constant 0 : i32
      %dma_start3A_1294 = tpu.memref_slice %arg6[%add3A, %dma_start3A_1293] : memref<32x16xf32, #tpu.memory_space<hbm>> -> memref<1x16xf32, #tpu.memory_space<hbm>>
      %dma_start3A_1295 = tpu.memref_squeeze %dma_start3A_1294 : memref<1x16xf32, #tpu.memory_space<hbm>> -> memref<16xf32, #tpu.memory_space<hbm>>
      %dma_start3A_1296 = arith.constant 0 : i32
      %dma_start3A_1297 = tpu.memref_slice %arg6[%add3A, %dma_start3A_1296] : memref<32x16xf32, #tpu.memory_space<hbm>> -> memref<1x16xf32, #tpu.memory_space<hbm>>
      %dma_start3A_1298 = tpu.memref_squeeze %dma_start3A_1297 : memref<1x16xf32, #tpu.memory_space<hbm>> -> memref<16xf32, #tpu.memory_space<hbm>>
      tpu.enqueue_dma source(%arg11 : memref<16xf32, #tpu.memory_space<vmem>>) target(%dma_start3A_1298 : memref<16xf32, #tpu.memory_space<hbm>>) target_semaphore(%run_scoped3A : memref<!tpu.dma_semaphore, #tpu.memory_space<semaphore_mem>>)
      %dma_wait3A_1299 = arith.constant 0 : i32
      %dma_wait3A_1300 = tpu.memref_slice %arg6[%add3A, %dma_wait3A_1299] : memref<32x16xf32, #tpu.memory_space<hbm>> -> memref<1x16xf32, #tpu.memory_space<hbm>>
      %dma_wait3A_1301 = tpu.memref_squeeze %dma_wait3A_1300 : memref<1x16xf32, #tpu.memory_space<hbm>> -> memref<16xf32, #tpu.memory_space<hbm>>
      %dma_wait3A_1302 = arith.constant 0 : i32
      %dma_wait3A_1303 = tpu.memref_slice %arg6[%add3A, %dma_wait3A_1302] : memref<32x16xf32, #tpu.memory_space<hbm>> -> memref<1x16xf32, #tpu.memory_space<hbm>>
      %dma_wait3A_1304 = tpu.memref_squeeze %dma_wait3A_1303 : memref<1x16xf32, #tpu.memory_space<hbm>> -> memref<16xf32, #tpu.memory_space<hbm>>
      tpu.wait_dma2 semaphore(%run_scoped3A : memref<!tpu.dma_semaphore, #tpu.memory_space<semaphore_mem>>) src(%arg11 : memref<16xf32, #tpu.memory_space<vmem>>) dst(%dma_wait3A_1304 : memref<16xf32, #tpu.memory_space<hbm>>)
      tpu.yield
    }) : () -> ()
    return
  }
}

</mosaic_0001>

<sc_bundles>
// kernel: kernel.3.cloned.1.call-start
scs
__scs_entry_jumppad:
0x0: {  	(pc) =	sbr.rel $0x88, $3  }
0x1: {  	(tag) =	ssettag $0x0;
	lr =	simm.s32 $0x1  }
0x2: {  	[smem:$0x3F9D] =	sst lr;
	_ =	strace $0xD0000000  }
0x3: {  	_ = 	snop  }
0x4: {  	_ = 	snop  }
0x5: {  	_ = 	snop  }
0x6: {  	_ = 	snop  }
0x7: {  	_ = 	snop  }
__scs_overlays_trampoline_lowered:
0x8: {  	[smem:$0x3FAC] =	sst s0  }
0x9: {  	[smem:$0x3FAD] =	sst s1  }
0xa: {  	[smem:$0x3FAE] =	sst s2  }
0xb: {  	[smem:$0x3FAF] =	sst s3  }
0xc: {  	[smem:$0x3FB0] =	sst s4  }
0xd: {  	[smem:$0x3FB1] =	sst s5  }
0xe: {  	[smem:$0x3FB2] =	sst s6  }
0xf: {  	[smem:$0x3FB3] =	sst s7  }
0x10: {  	[smem:$0x3FB4] =	sst s8  }
0x11: {  	[smem:$0x3FB5] =	sst s9;
	s0 =	simm.s32 @!p0 $0x0  }
0x12: {  	s1 =	sld [smem:$0x3F9B];
	s0 =	simm.s32 @p0 $0x1  }
0x13: {  	[smem:$0x3FB6] =	sst s0;
	s0 =	simm.s32 @!p1 $0x0  }
0x14: {  	s2 =	sld [smem:$0x3F9A];
	s0 =	simm.s32 @p1 $0x1  }
0x15: {  	[smem:$0x3FB7] =	sst s0;
	s0 =	simm.s32 @!p2 $0x0  }
0x16: {  	s3 =	sld [smem:$0x3FDB];
	s0 =	simm.s32 @p2 $0x1  }
0x17: {  	s4 =	simm.s32 $0x1BF5;
	[smem:$0x3FB9] =	sst s0  }
0x18: {  	s0 =	sld [smem:$0x3F9C];
	_ =	swait.ge [sflag:s4], $0x0  }
0x19: {  	s7 =	sld [smem:$0x3F9D]  }
0x1a: {  	s8 =	sadd.s32 $0xFFFFE003, lr  }
0x1b: {  	s9 =	sadd.s32 $0xFFFFFEF7, lr;
	s5 =	simm.s32 $0xFFFFFFFF;
	p2 =	slt.u32 s8, $0xFFFFF086  }
0x1c: {  	p1 =	slt.u32 s9, $0xF7A;
	s5 =	simm.s32 @!p2 $0x0  }
0x1d: {  	s5 =	simm.s32 @p1 $0x1;
	p0 =	seq.s32 s7, s2  }
0x1e: {  	s7 =	smul.u32 @!p0 $0xF7A, s2;
	p2 =	seq.s32 @!p0 s5, $0x0  }
0x1f: {  	s9 =	smul.u32 $0xF7A, s1;
	s8 =	simm.s32 @!p0 $0x1BF5;
	p2 =	por !p2, p0  }
0x20: {  	[sflag:s8] =	ssyncset.s32 @!p0 $0xFFFFF086;
	s6 =	sadd.s32 @!p0 s3, s7;
	s7 =	simm.s32 @!p0 $0x108  }
0x21: {  	s3 =	sadd.s32 s3, s9;
	s6 =	sadd.s32 @!p0 $0x88, s6;
	s7 =	simm.s32 @p2 $0x1082  }
0x22: {  	[simem:s7], [sflag:s8] =	dma.local @!p0 [hbm:s6], $0xF7A  }
0x23: {  	s9 =	sor.u32 $0xD0000000, s2;
	s6 =	simm.s32 $0x108;
	_ =	swait.ge @!p0 [sflag:s8], $0x0  }
0x24: {  	s3 =	sadd.s32 $0x88, s3;
	s6 =	simm.s32 @!p1 $0x1082;
	[sflag:s4] =	ssyncset.s32 $0xFFFFF086  }
0x25: {  	[simem:s6], [sflag:s4] =	dma.local [hbm:s3], $0xF7A  }
0x26: {  	[smem:$0x3F9D] =	sst s1;
	(tag) =	ssettag s2;
	_ =	strace s9  }
0x27: {  	s1 =	sld [smem:$0x3FAD]  }
0x28: {  	s2 =	sld [smem:$0x3FAE]  }
0x29: {  	s4 =	sld [smem:$0x3FB0]  }
0x2a: {  	p0 =	seq.s32 s5, $0x0;
	s5 =	sld [smem:$0x3FB1]  }
0x2b: {  	s6 =	sld [smem:$0x3FB2]  }
0x2c: {  	s7 =	sld [smem:$0x3FB3]  }
0x2d: {  	s3 =	simm.s32 $0x108;
	s8 =	sld [smem:$0x3FB4]  }
0x2e: {  	s3 =	simm.s32 @!p0 $0x1082;
	s9 =	sld [smem:$0x3FB5]  }
0x2f: {  	lr =	sadd.s32 s0, s3;
	s0 =	sld [smem:$0x3FAC]  }
0x30: {  	s3 =	sld [smem:$0x3FAF]  }
0x31: {  	[smem:$0x3FB8] =	sst s10  }
0x32: {  	s10 =	sld [smem:$0x3FB6];
	_ =	sdelay $0x3  }
0x33: {  	p0 =	seq.s32 s10, $0x1;
	s10 =	sld [smem:$0x3FB8];
	_ =	sdelay $0x3  }
0x34: {  	[smem:$0x3FB8] =	sst s10  }
0x35: {  	s10 =	sld [smem:$0x3FB7];
	_ =	sdelay $0x3  }
0x36: {  	p1 =	seq.s32 s10, $0x1;
	s10 =	sld [smem:$0x3FB8];
	_ =	sdelay $0x3  }
0x37: {  	[smem:$0x3FB8] =	sst s10  }
0x38: {  	s10 =	sld [smem:$0x3FB9]  }
0x39: {  	_ = 	snop;
	(pc) =	sbr.ind lr, $3  }
0x3a: {  	_ = 	snop  }
0x3b: {  	_ = 	snop  }
0x3c: {  	p2 =	seq.s32 s10, $0x1;
	s10 =	sld [smem:$0x3FB8]  }
0x3d: {  	_ =	shalt  }
0x3e: {  	_ =	shalt  }
0x3f: {  	_ =	shalt  }
0x40: {  	_ =	shalt  }
0x41: {  	_ =	shalt  }
0x42: {  	_ =	shalt  }
0x43: {  	_ =	shalt  }
0x44: {  	_ =	shalt  }
0x45: {  	_ =	shalt  }
0x46: {  	_ =	shalt  }
0x47: {  	_ =	shalt  }
0x48: {  	_ =	shalt  }
0x49: {  	_ =	shalt  }
0x4a: {  	_ =	shalt  }
0x4b: {  	_ =	shalt  }
0x4c: {  	_ =	shalt  }
0x4d: {  	_ =	shalt  }
0x4e: {  	_ =	shalt  }
0x4f: {  	_ =	shalt  }
0x50: {  	_ =	shalt  }
0x51: {  	_ =	shalt  }
0x52: {  	_ =	shalt  }
0x53: {  	_ =	shalt  }
0x54: {  	_ =	shalt  }
0x55: {  	_ =	shalt  }
0x56: {  	_ =	shalt  }
0x57: {  	_ =	shalt  }
0x58: {  	_ =	shalt  }
0x59: {  	_ =	shalt  }
0x5a: {  	_ =	shalt  }
0x5b: {  	_ =	shalt  }
0x5c: {  	_ =	shalt  }
0x5d: {  	_ =	shalt  }
0x5e: {  	_ =	shalt  }
0x5f: {  	_ =	shalt  }
0x60: {  	_ =	shalt  }
0x61: {  	_ =	shalt  }
0x62: {  	_ =	shalt  }
0x63: {  	_ =	shalt  }
0x64: {  	_ =	shalt  }
0x65: {  	_ =	shalt  }
0x66: {  	_ =	shalt  }
0x67: {  	_ =	shalt  }
0x68: {  	_ =	shalt  }
0x69: {  	_ =	shalt  }
0x6a: {  	_ =	shalt  }
0x6b: {  	_ =	shalt  }
0x6c: {  	_ =	shalt  }
0x6d: {  	_ =	shalt  }
0x6e: {  	_ =	shalt  }
0x6f: {  	_ =	shalt  }
0x70: {  	_ =	shalt  }
0x71: {  	_ =	shalt  }
0x72: {  	_ =	shalt  }
0x73: {  	_ =	shalt  }
0x74: {  	_ =	shalt  }
0x75: {  	_ =	shalt  }
0x76: {  	_ =	shalt  }
0x77: {  	_ =	shalt  }
0x78: {  	_ =	shalt  }
0x79: {  	_ =	shalt  }
0x7a: {  	_ =	shalt  }
0x7b: {  	_ =	shalt  }
0x7c: {  	_ =	shalt  }
0x7d: {  	_ =	shalt  }
0x7e: {  	_ =	shalt  }
0x7f: {  	_ =	shalt  }
0x80: {  	_ =	shalt  }
0x81: {  	_ =	shalt  }
0x82: {  	_ =	shalt  }
0x83: {  	_ =	shalt  }
0x84: {  	_ =	shalt  }
0x85: {  	_ =	shalt  }
0x86: {  	_ =	shalt  }
0x87: {  	_ =	shalt  }
.Lfunc_end0:
.L_simem_size_0:
called_computation_lowered:
.L_overlay_start_0:
0x88: {  	s2 =	sld [smem:$0x3FD9]  }
0x89: {  	s3 =	sld [smem:$0x3FFE];
	_ =	sdelay $0x1  }
0x8a: {  	s1 =	srdreg.scid  }
0x8b: {  	s0 =	sand.u32 $0x1, s1  }
0x8c: {  	s17 =	sshll.u32 s0, $0xA;
	s2 =	sadd.s32 s3, s2  }
0x8d: {  	s2 =	sadd.s32 s2, s17  }
0x8e: {  	[smem:$0x3FC4] =	sst s2  }
0x8f: {  	_ = 	snop  }
0x90: {  	s2 =	sld [smem:$0x3FC7]  }
0x91: {  	s18 =	sld [smem:$0x3FC6];
	(tm) =	ssettm $0x1  }
0x92: {  	s4 =	sld [smem:$0x3FFB];
	_ =	sdelay $0x3  }
0x93: {  	_ =	strace s4  }
0x94: {  	s4 =	sld [smem:$0x3FFC];
	_ =	sdelay $0x3  }
0x95: {  	_ =	strace s4  }
0x96: {  	s4 =	sld [smem:$0x3FFD];
	_ =	sdelay $0x3  }
0x97: {  	_ =	strace s4  }
0x98: {  	_ =	strace $0x8FFFFFFF  }
0x99: {  	s19 =	sld [smem:$0x3FDB];
	_ =	sdelay $0x1  }
0x9a: {  	s5 =	simm.s32 $_scs_section_size  }
0x9b: {  	s6 =	simm.s32 $_size__tile_overlayer_lowered;
	s7 =	simm.s32 $_tile_overlayer_lowered  }
0x9c: {  	s22 =	simm.s32 $0x1BFF;
	s21 =	sshll.u32 s7, $0x1;
	s4 =	sadd.s32 s5, s19  }
0x9d: {  	s8 =	simm.s32 $0x0;
	s20 =	sshll.u32 s6, $0x1;
	s6 =	sadd.s32 s21, s4  }
0x9e: {  	[timem:s8], [sflag:s22] =	dma.local [hbm:s6], s20  }
0x9f: {  	_ =	swait.ge [sflag:s22], s20  }
0xa0: {  	s5 =	ssub.s32 $0x0, s20;
	[sflag:s22] =	ssyncset.done $0x0  }
0xa1: {  	[sflag:s22] =	ssyncadd.s32 s5;
	_ =	sdelay $0x1  }
0xa2: {  	s23 =	simm.s32 $0x1B8B  }
0xa3: {  	_ =	swait.ge [sflag:s23], $0x1  }
0xa4: {  	[sflag:s23] =	ssyncset.done $0x0  }
0xa5: {  	s25 =	simm.s32 $0x1B8E;
	s24 =	sld [smem:$0x3FFE];
	[sflag:s23] =	ssyncadd.s32 $0xFFFFFFFF  }
0xa6: {  	s26 =	simm.s32 $execute0_lowered;
	[smem:$0x3FD2] =	sst s25  }
0xa7: {  	s6 =	sshll.u32 s26, $0x1;
	_ =	strace $0x80000046;
	[dreg:$0x1] =	wrdreg $0xFFFFFFFF  }
0xa8: {  	s28 =	simm.s32 $_size_execute0_lowered;
	s4 =	sadd.s32 s4, s6;
	[dreg:$0x0] =	wrdreg $0x0  }
0xa9: {  	s6 =	sshll.u32 s28, $0x1;
	[dreg:$0x2] =	wrdreg s4  }
0xaa: {  	[dreg:$0x3] =	wrdreg s6  }
0xab: {  	[dreg:$0x4] =	wrdreg $0xC0  }
0xac: {  	_ =	task [dreg:s8], $0x5FFFF  }
0xad: {  	[dreg:$0x1] =	wrdreg $0xFFFFFFFF  }
0xae: {  	[dreg:$0x0] =	wrdreg $0x60  }
0xaf: {  	[dreg:$0x2] =	wrdreg s2  }
0xb0: {  	[dreg:$0x3] =	wrdreg s18  }
0xb1: {  	[dreg:$0x4] =	wrdreg s24  }
0xb2: {  	[dreg:$0x5] =	wrdreg $0x9  }
0xb3: {  	_ =	task.clear_ibuf [dreg:s8], $0x6FFFF;
	_ =	strace $0x90000046  }
0xb4: {  	s29 =	simm.s32 $0x9;
	_ =	strace $0x80000048  }
0xb5: {  	_ =	swait.ge [sflag:s29], $0x1  }
0xb6: {  	[sflag:s29] =	ssyncadd.s32 $0xFFFFFFFF  }
0xb7: {  	_ =	strace $0x90000048  }
0xb8: {  	_ =	sfence  }
0xb9: {  	s30 =	sld [smem:$0x0];
	_ =	sdelay $0x2  }
0xba: {  	s31 =	sshll.u32 s1, $0xD;
	s1 =	sshrl.u32 s1, $0x2  }
0xbb: {  	s3 =	sand.u32 $0x4000, s31;
	s1 =	sadd.s32 s1, s30  }
0xbc: {  	s0 =	sor.u32 s3, s0;
	s1 =	sshll.u32 s1, $0x11  }
0xbd: {  	s0 =	sor.u32 s1, s0  }
0xbe: {  	s0 =	sadd.s32 $0x8F2B, s0  }
0xbf: {  	[sflag:s0] =	ssyncadd.remote.s32 $0x1  }
0xc0: {  	_ =	sfence.sel $0xFFFF  }
0xc1: {  	[dreg:$0x0] =	wrdreg $0xFFFFFFFF;
	(pc) =	sbr.abs _section_cstart, $3  }
0xc2: {  	[dreg:$0x1] =	wrdreg $0xFFFFFFFF  }
0xc3: {  	_ =	task.clear_ibuf [dreg:s8], $0x2FFFF;
	_ =	strace $0x9FFFFFFF  }
0xc4: {  	(tm) =	ssettm $0x7FFFFFFF  }
0xc5: {  	_ =	shalt  }
tec
execute0_lowered:
.L_overlay_start_1:
0x0: {  	(tag) =	ssettag $0x1  }
0x1: {  	s4 =	rddreg [dreg:$0x0];
	s1 =	srdreg.scid  }
0x2: {  	s0 =	stileid.u32;
	s2 =	rddreg [dreg:$0x1]  }
0x3: {  	s6 =	rddreg [dreg:$0x2];
	s3 =	simm.s32 $0x0;
	s11 =	simm.s32 $0x200  }
0x4: {  	s12 =	simm.s32 $0x280;
	s13 =	simm.s32 $0x100;
	s14 =	simm.s32 $0x300  }
0x5: {  	s15 =	simm.s32 $0x180;
	s16 =	simm.s32 $0x380;
	s17 =	simm.s32 $0x400  }
0x6: {  	s18 =	simm.s32 $0x600;
	s19 =	simm.s32 $0x1;
	s20 =	simm.s32 $0x800  }
0x7: {  	s5 =	sand.u32 $0x1, s1;
	s30 =	sshll.u32 s0, $0x1;
	s1 =	rddreg [dreg:$0x3]  }
0x8: {  	s8 =	sshrl.u32 s0, $0x2;
	[smem:$0x7FF] =	sst s3;
	s7 =	sor.u32 s5, s30  }
0x9: {  	s10 =	sshll.u32 s8, $0xA;
	_ =	strace $0x80000047;
	s9 =	sshll.u32 s7, $0x7  }
0xa: {  	s8 =	sshll.u32 s8, $0xC;
	s5 =	ssub.s32 $0x2, s5;
	s9 =	sand.u32 $0x380, s9  }
0xb: {  	s31 =	sshrl.u32 s5, $0x1;
	s7 =	sshll.u32 s7, $0x6;
	s10 =	sor.u32 s10, s9  }
0xc: {  	s4 =	sadd.s32 s4, s7;
	s8 =	sor.u32 s8, s9;
	s10 =	sshrl.u32 s10, $0x3  }
0xd: {  	s9 =	ssub.s32 s5, s31;
	s8 =	sshrl.u32 s8, $0x3;
	s10 =	sadd.s32 s10, s6  }
0xe: {  	s5 =	sadd.s32 s6, s8;
	s8 =	smax.u32 s9, $0x1;
	s9 =	simm.s32 $0x2  }
0xf: {  	s6 =	sadd.s32 $0x800, s5;
	s7 =	sadd.s32 $0x1000, s10;
	s10 =	simm.s32 $0x80  }
.LBB2_1:
0x10: {  	[tilespmem:s3], [sflag:$0x2] =	stream.linear.gather [hbm4b:s4+s3], $0x200, $0x38;
	[tilespmem:$0x880] =	vst v63  }
0x11: {  	_ =	swait.ge [sflag:s9], $0x200  }
0x12: {  	[sflag:s9] =	ssyncset.done $0x0  }
0x13: {  	[sflag:s9] =	ssyncadd.s32 $0xFFFFFE00  }
0x14: {  	[tilespmem:s11], [sflag:$0x1] =	stream.indirect.gather [hbm4b:s2+s10], $0x1, s3, s10, $0xb8;
	[tilespmem:$0x880] =	vst v63  }
0x15: {  	_ = 	snop  }
0x16: {  	[tilespmem:s12], [sflag:$0x1] =	stream.indirect.gather [hbm4b:s2+s10], $0x1, s10, s10, $0xb8;
	[tilespmem:$0x880] =	vst v63  }
0x17: {  	_ = 	snop  }
0x18: {  	[tilespmem:s14], [sflag:$0x1] =	stream.indirect.gather [hbm4b:s2+s10], $0x1, s13, s10, $0xb8;
	[tilespmem:$0x880] =	vst v63  }
0x19: {  	_ = 	snop  }
0x1a: {  	[tilespmem:s16], [sflag:$0x1] =	stream.indirect.gather [hbm4b:s2+s10], $0x1, s15, s10, $0xb8;
	[tilespmem:$0x880] =	vst v63  }
0x1b: {  	_ = 	snop  }
0x1c: {  	[tilespmem:s17], [sflag:$0x2] =	stream.strided.gather [hbm4b:s5+s10], $0x200, s17, s10, $0x38;
	[tilespmem:$0x880] =	vst v63  }
0x1d: {  	_ =	swait.ge [sflag:s9], $0x200  }
0x1e: {  	[sflag:s9] =	ssyncset.done $0x0  }
0x1f: {  	[sflag:s9] =	ssyncadd.s32 $0xFFFFFE00  }
0x20: {  	[tilespmem:s18], [sflag:$0x2] =	stream.strided.gather [hbm4b:s6+s10], $0x200, s17, s10, $0x38;
	[tilespmem:$0x880] =	vst v63  }
0x21: {  	_ =	swait.ge [sflag:s9], $0x200  }
0x22: {  	[sflag:s9] =	ssyncset.done $0x0  }
0x23: {  	[sflag:s9] =	ssyncadd.s32 $0xFFFFFE00  }
0x24: {  	_ =	swait.ge [sflag:s19], $0x80  }
0x25: {  	[sflag:s19] =	ssyncset.done $0x0  }
0x26: {  	[sflag:s19] =	ssyncadd.s32 $0xFFFFFF80  }
0x27: {  	_ =	swait.ge [sflag:s19], $0x80  }
0x28: {  	[sflag:s19] =	ssyncset.done $0x0  }
0x29: {  	[sflag:s19] =	ssyncadd.s32 $0xFFFFFF80  }
0x2a: {  	_ =	swait.ge [sflag:s19], $0x80  }
0x2b: {  	[sflag:s19] =	ssyncset.done $0x0  }
0x2c: {  	[sflag:s19] =	ssyncadd.s32 $0xFFFFFF80  }
0x2d: {  	_ =	swait.ge [sflag:s19], $0x80  }
0x2e: {  	[sflag:s19] =	ssyncset.done $0x0  }
0x2f: {  	[sflag:s19] =	ssyncadd.s32 $0xFFFFFF80  }
0x30: {  	v0 =	vld [tilespmem:$0x200];
	_ =	sdelay $0x4  }
0x31: {  	v0 =	vsub.f32 $0.0e+00, v0;
	_ =	sdelay $0x1  }
0x32: {  	v0 =	vmul.f32 $1.442695020e+00, v0;
	_ =	sdelay $0x1  }
0x33: {  	(erf) = vpow2.f32 v0;
	_ =	sdelay $0x3  }
0x34: {  	v54 =	vld [tilespmem:$0x210];
	_ =	sdelay $0x4  }
0x35: {  	v0 =	vsub.f32 $0.0e+00, v54;
	v1 =	vpop (erf)  }
0x36: {  	v1 =	vadd.f32 $1.000000000e+00, v1  }
0x37: {  	v0 =	vmul.f32 $1.442695020e+00, v0  }
0x38: {  	(erf) = vrcp.f32 v1  }
0x39: {  	(erf) = vpow2.f32 v0;
	_ =	sdelay $0x3  }
0x3a: {  	v55 =	vld [tilespmem:$0x220];
	_ =	sdelay $0x3  }
0x3b: {  	v2 =	vpop (erf)  }
0x3c: {  	v0 =	vsub.f32 $0.0e+00, v55;
	v56 =	vpop (erf)  }
0x3d: {  	v1 =	vadd.f32 $1.000000000e+00, v56  }
0x3e: {  	v0 =	vmul.f32 $1.442695020e+00, v0  }
0x3f: {  	(erf) = vrcp.f32 v1  }
0x40: {  	(erf) = vpow2.f32 v0;
	_ =	sdelay $0x3  }
0x41: {  	v57 =	vld [tilespmem:$0x230];
	_ =	sdelay $0x3  }
0x42: {  	v18 =	vpop (erf)  }
0x43: {  	v0 =	vsub.f32 $0.0e+00, v57;
	v58 =	vpop (erf)  }
0x44: {  	v1 =	vadd.f32 $1.000000000e+00, v58  }
0x45: {  	v0 =	vmul.f32 $1.442695020e+00, v0  }
0x46: {  	(erf) = vrcp.f32 v1  }
0x47: {  	(erf) = vpow2.f32 v0;
	_ =	sdelay $0x3  }
0x48: {  	v59 =	vld [tilespmem:$0x240];
	_ =	sdelay $0x3  }
0x49: {  	v17 =	vpop (erf)  }
0x4a: {  	v0 =	vsub.f32 $0.0e+00, v59;
	v60 =	vpop (erf)  }
0x4b: {  	v1 =	vadd.f32 $1.000000000e+00, v60  }
0x4c: {  	v0 =	vmul.f32 $1.442695020e+00, v0  }
0x4d: {  	(erf) = vrcp.f32 v1  }
0x4e: {  	(erf) = vpow2.f32 v0;
	_ =	sdelay $0x3  }
0x4f: {  	v61 =	vld [tilespmem:$0x250];
	_ =	sdelay $0x3  }
0x50: {  	v6 =	vpop (erf)  }
0x51: {  	v0 =	vsub.f32 $0.0e+00, v61;
	v62 =	vpop (erf)  }
0x52: {  	v1 =	vadd.f32 $1.000000000e+00, v62  }
0x53: {  	v0 =	vmul.f32 $1.442695020e+00, v0  }
0x54: {  	(erf) = vrcp.f32 v1  }
0x55: {  	(erf) = vpow2.f32 v0;
	_ =	sdelay $0x3  }
0x56: {  	v63 =	vld [tilespmem:$0x260];
	_ =	sdelay $0x3  }
0x57: {  	v16 =	vpop (erf)  }
0x58: {  	v0 =	vsub.f32 $0.0e+00, v63;
	v4 =	vpop (erf)  }
0x59: {  	v1 =	vadd.f32 $1.000000000e+00, v4  }
0x5a: {  	v0 =	vmul.f32 $1.442695020e+00, v0  }
0x5b: {  	(erf) = vrcp.f32 v1  }
0x5c: {  	(erf) = vpow2.f32 v0;
	_ =	sdelay $0x3  }
0x5d: {  	v5 =	vld [tilespmem:$0x270];
	_ =	sdelay $0x3  }
0x5e: {  	v10 =	vpop (erf)  }
0x5f: {  	v0 =	vsub.f32 $0.0e+00, v5;
	v7 =	vpop (erf)  }
0x60: {  	v1 =	vadd.f32 $1.000000000e+00, v7  }
0x61: {  	v0 =	vmul.f32 $1.442695020e+00, v0  }
0x62: {  	(erf) = vrcp.f32 v1  }
0x63: {  	(erf) = vpow2.f32 v0;
	_ =	sdelay $0x3  }
0x64: {  	v8 =	vld [tilespmem:$0x280];
	_ =	sdelay $0x3  }
0x65: {  	v15 =	vpop (erf)  }
0x66: {  	v0 =	vsub.f32 $0.0e+00, v8;
	v9 =	vpop (erf)  }
0x67: {  	v1 =	vadd.f32 $1.000000000e+00, v9  }
0x68: {  	v0 =	vmul.f32 $1.442695020e+00, v0  }
0x69: {  	(erf) = vrcp.f32 v1  }
0x6a: {  	(erf) = vpow2.f32 v0;
	_ =	sdelay $0x3  }
0x6b: {  	v11 =	vld [tilespmem:$0x290];
	_ =	sdelay $0x3  }
0x6c: {  	v14 =	vpop (erf)  }
0x6d: {  	v0 =	vsub.f32 $0.0e+00, v11;
	v13 =	vpop (erf)  }
0x6e: {  	v1 =	vadd.f32 $1.000000000e+00, v13  }
0x6f: {  	v0 =	vmul.f32 $1.442695020e+00, v0  }
0x70: {  	(erf) = vrcp.f32 v1  }
0x71: {  	(erf) = vpow2.f32 v0;
	_ =	sdelay $0x3  }
0x72: {  	v19 =	vld [tilespmem:$0x2A0];
	_ =	sdelay $0x3  }
0x73: {  	v13 =	vpop (erf)  }
0x74: {  	v0 =	vsub.f32 $0.0e+00, v19;
	v20 =	vpop (erf)  }
0x75: {  	v1 =	vadd.f32 $1.000000000e+00, v20  }
0x76: {  	v0 =	vmul.f32 $1.442695020e+00, v0  }
0x77: {  	(erf) = vrcp.f32 v1  }
0x78: {  	(erf) = vpow2.f32 v0;
	_ =	sdelay $0x3  }
0x79: {  	v21 =	vld [tilespmem:$0x2B0];
	_ =	sdelay $0x3  }
0x7a: {  	v12 =	vpop (erf)  }
0x7b: {  	v0 =	vsub.f32 $0.0e+00, v21;
	v22 =	vpop (erf)  }
0x7c: {  	v1 =	vadd.f32 $1.000000000e+00, v22  }
0x7d: {  	v0 =	vmul.f32 $1.442695020e+00, v0  }
0x7e: {  	(erf) = vrcp.f32 v1  }
0x7f: {  	(erf) = vpow2.f32 v0;
	_ =	sdelay $0x3  }
0x80: {  	v23 =	vld [tilespmem:$0x2C0];
	_ =	sdelay $0x3  }
0x81: {  	v11 =	vpop (erf)  }
0x82: {  	v0 =	vsub.f32 $0.0e+00, v23;
	v24 =	vpop (erf)  }
0x83: {  	v1 =	vadd.f32 $1.000000000e+00, v24  }
0x84: {  	v0 =	vmul.f32 $1.442695020e+00, v0  }
0x85: {  	(erf) = vrcp.f32 v1  }
0x86: {  	(erf) = vpow2.f32 v0;
	_ =	sdelay $0x3  }
0x87: {  	v25 =	vld [tilespmem:$0x2D0];
	_ =	sdelay $0x3  }
0x88: {  	v9 =	vpop (erf)  }
0x89: {  	v0 =	vsub.f32 $0.0e+00, v25;
	v26 =	vpop (erf)  }
0x8a: {  	v1 =	vadd.f32 $1.000000000e+00, v26  }
0x8b: {  	v0 =	vmul.f32 $1.442695020e+00, v0  }
0x8c: {  	(erf) = vrcp.f32 v1  }
0x8d: {  	(erf) = vpow2.f32 v0;
	_ =	sdelay $0x3  }
0x8e: {  	v27 =	vld [tilespmem:$0x2E0];
	_ =	sdelay $0x3  }
0x8f: {  	v8 =	vpop (erf)  }
0x90: {  	v0 =	vsub.f32 $0.0e+00, v27;
	v28 =	vpop (erf)  }
0x91: {  	v1 =	vadd.f32 $1.000000000e+00, v28  }
0x92: {  	v0 =	vmul.f32 $1.442695020e+00, v0  }
0x93: {  	(erf) = vrcp.f32 v1  }
0x94: {  	(erf) = vpow2.f32 v0;
	_ =	sdelay $0x3  }
0x95: {  	v29 =	vld [tilespmem:$0x2F0];
	_ =	sdelay $0x3  }
0x96: {  	v7 =	vpop (erf)  }
0x97: {  	v0 =	vsub.f32 $0.0e+00, v29;
	v30 =	vpop (erf)  }
0x98: {  	v1 =	vadd.f32 $1.000000000e+00, v30  }
0x99: {  	v0 =	vmul.f32 $1.442695020e+00, v0  }
0x9a: {  	(erf) = vrcp.f32 v1  }
0x9b: {  	(erf) = vpow2.f32 v0;
	_ =	sdelay $0x3  }
0x9c: {  	v31 =	vld [tilespmem:$0x300];
	_ =	sdelay $0x3  }
0x9d: {  	v5 =	vpop (erf)  }
0x9e: {  	v0 =	vsub.f32 $0.0e+00, v31;
	v32 =	vpop (erf)  }
0x9f: {  	v1 =	vadd.f32 $1.000000000e+00, v32  }
0xa0: {  	v0 =	vmul.f32 $1.442695020e+00, v0  }
0xa1: {  	(erf) = vrcp.f32 v1  }
0xa2: {  	(erf) = vpow2.f32 v0;
	_ =	sdelay $0x3  }
0xa3: {  	v33 =	vld [tilespmem:$0x310];
	_ =	sdelay $0x3  }
0xa4: {  	v4 =	vpop (erf)  }
0xa5: {  	v0 =	vsub.f32 $0.0e+00, v33;
	v34 =	vpop (erf)  }
0xa6: {  	v1 =	vadd.f32 $1.000000000e+00, v34  }
0xa7: {  	v0 =	vmul.f32 $1.442695020e+00, v0  }
0xa8: {  	(erf) = vrcp.f32 v1  }
0xa9: {  	(erf) = vpow2.f32 v0;
	_ =	sdelay $0x3  }
0xaa: {  	v35 =	vld [tilespmem:$0x320];
	_ =	sdelay $0x3  }
0xab: {  	v3 =	vpop (erf)  }
0xac: {  	v0 =	vsub.f32 $0.0e+00, v35;
	v36 =	vpop (erf)  }
0xad: {  	v1 =	vadd.f32 $1.000000000e+00, v36  }
0xae: {  	v0 =	vmul.f32 $1.442695020e+00, v0  }
0xaf: {  	(erf) = vrcp.f32 v1  }
0xb0: {  	(erf) = vpow2.f32 v0;
	_ =	sdelay $0x3  }
0xb1: {  	v37 =	vld [tilespmem:$0x330];
	_ =	sdelay $0x3  }
0xb2: {  	v1 =	vpop (erf)  }
0xb3: {  	v0 =	vsub.f32 $0.0e+00, v37;
	v19 =	vpop (erf)  }
0xb4: {  	v19 =	vadd.f32 $1.000000000e+00, v19  }
0xb5: {  	v0 =	vmul.f32 $1.442695020e+00, v0  }
0xb6: {  	(erf) = vrcp.f32 v19  }
0xb7: {  	(erf) = vpow2.f32 v0;
	_ =	sdelay $0x3  }
0xb8: {  	v38 =	vld [tilespmem:$0x340];
	_ =	sdelay $0x3  }
0xb9: {  	v0 =	vpop (erf)  }
0xba: {  	v19 =	vsub.f32 $0.0e+00, v38;
	v21 =	vpop (erf)  }
0xbb: {  	v20 =	vld [tilespmem:$0x400];
	v21 =	vadd.f32 $1.000000000e+00, v21  }
0xbc: {  	v19 =	vmul.f32 $1.442695020e+00, v19  }
0xbd: {  	v22 =	vld [tilespmem:$0x600];
	(erf) = vrcp.f32 v21  }
0xbe: {  	(erf) = vpow2.f32 v19;
	_ =	sdelay $0x1  }
0xbf: {  	v39 =	vadd.f32 $-5.000000000e-01, v20;
	_ =	sdelay $0x1  }
0xc0: {  	v24 =	vsub.f32 $5.000000000e-01, v22;
	v25 =	vld [tilespmem:$0x350];
	v19 =	vmul.f32 v2, v39;
	v2 =	vmul.f32 $3.000000120e-01, v2  }
0xc1: {  	v20 =	vsub.f32 v20, v22  }
0xc2: {  	v19 =	vadd.f32 v19, v24  }
0xc3: {  	v20 =	vand.u32 $0x7FFFFFFF, v20  }
0xc4: {  	v23 =	vld [tilespmem:$0x410];
	v20 =	vmul.f32 v2, v20;
	v19 =	vmul.f32 v19, v19;
	v2 =	vpop (erf)  }
0xc5: {  	v25 =	vsub.f32 $0.0e+00, v25;
	v43 =	vpop (erf)  }
0xc6: {  	v40 =	vld [tilespmem:$0x610];
	v19 =	vadd.f32 v19, v20;
	v20 =	vadd.f32 $1.000000000e+00, v43  }
0xc7: {  	v42 =	vld [tilespmem:$0x420];
	v45 =	vmul.f32 $1.442695020e+00, v25  }
0xc8: {  	v48 =	vld [tilespmem:$0x630];
	(erf) = vrcp.f32 v20  }
0xc9: {  	v41 =	vadd.f32 $-5.000000000e-01, v23;
	v27 =	vld [tilespmem:$0x620];
	(erf) = vpow2.f32 v45  }
0xca: {  	v28 =	vld [tilespmem:$0x430]  }
0xcb: {  	v22 =	vmul.f32 v18, v41;
	v26 =	vsub.f32 $5.000000000e-01, v40  }
0xcc: {  	v44 =	vadd.f32 $-5.000000000e-01, v42  }
0xcd: {  	v55 =	vsub.f32 $5.000000000e-01, v48;
	v56 =	vld [tilespmem:$0x360];
	v22 =	vadd.f32 v22, v26  }
0xce: {  	v46 =	vmul.f32 v17, v44;
	v47 =	vsub.f32 $5.000000000e-01, v27;
	v21 =	vsub.f32 v23, v40  }
0xcf: {  	v18 =	vmul.f32 $3.000000120e-01, v18;
	v22 =	vmul.f32 v22, v22;
	v51 =	vadd.f32 $-5.000000000e-01, v28  }
0xd0: {  	v60 =	vmul.f32 $3.000000120e-01, v6;
	v49 =	vadd.f32 v46, v47;
	v21 =	vand.u32 $0x7FFFFFFF, v21  }
0xd1: {  	v52 =	vld [tilespmem:$0x440];
	v23 =	vmul.f32 v6, v51;
	v18 =	vmul.f32 v18, v21;
	v19 =	vadd.f32 v22, v19;
	v6 =	vpop (erf)  }
0xd2: {  	v54 =	vld [tilespmem:$0x640];
	v17 =	vmul.f32 $3.000000120e-01, v17;
	v26 =	vsub.f32 $0.0e+00, v56;
	v50 =	vsub.f32 v42, v27;
	v63 =	vpop (erf)  }
0xd3: {  	v59 =	vld [tilespmem:$0x450];
	v53 =	vmul.f32 v49, v49;
	v18 =	vadd.f32 v19, v18;
	v30 =	vadd.f32 $1.000000000e+00, v63  }
0xd4: {  	v62 =	vld [tilespmem:$0x650];
	v31 =	vmul.f32 $1.442695020e+00, v26;
	v57 =	vadd.f32 v23, v55;
	v22 =	vand.u32 $0x7FFFFFFF, v50  }
0xd5: {  	v17 =	vmul.f32 v17, v22;
	v18 =	vadd.f32 v53, v18;
	(erf) = vrcp.f32 v30  }
0xd6: {  	v58 =	vadd.f32 $-5.000000000e-01, v52;
	v20 =	vsub.f32 v28, v48;
	(erf) = vpow2.f32 v31  }
0xd7: {  	v61 =	vsub.f32 $5.000000000e-01, v54;
	v19 =	vmul.f32 v57, v57;
	v17 =	vadd.f32 v18, v17  }
0xd8: {  	v32 =	vadd.f32 $-5.000000000e-01, v59;
	v20 =	vand.u32 $0x7FFFFFFF, v20;
	v18 =	vmul.f32 v16, v58  }
0xd9: {  	v34 =	vsub.f32 $5.000000000e-01, v62;
	v29 =	vmul.f32 v60, v20;
	v17 =	vadd.f32 v19, v17  }
0xda: {  	v39 =	vld [tilespmem:$0x370];
	v18 =	vadd.f32 v18, v61;
	v19 =	vmul.f32 v10, v32;
	v10 =	vmul.f32 $3.000000120e-01, v10  }
0xdb: {  	v37 =	vsub.f32 v59, v62;
	v21 =	vsub.f32 v52, v54  }
0xdc: {  	v16 =	vmul.f32 $3.000000120e-01, v16;
	v17 =	vadd.f32 v17, v29;
	v18 =	vmul.f32 v18, v18  }
0xdd: {  	v41 =	vld [tilespmem:$0x470];
	v21 =	vand.u32 $0x7FFFFFFF, v21;
	v36 =	vadd.f32 v19, v34;
	v19 =	vand.u32 $0x7FFFFFFF, v37  }
0xde: {  	v33 =	vld [tilespmem:$0x460];
	v16 =	vmul.f32 v16, v21;
	v43 =	vmul.f32 v10, v19;
	v17 =	vadd.f32 v18, v17;
	v10 =	vpop (erf)  }
0xdf: {  	v47 =	vld [tilespmem:$0x480];
	v22 =	vsub.f32 $0.0e+00, v39;
	v45 =	vpop (erf)  }
0xe0: {  	v35 =	vld [tilespmem:$0x660];
	v16 =	vadd.f32 v17, v16;
	v17 =	vadd.f32 $1.000000000e+00, v45  }
0xe1: {  	v49 =	vld [tilespmem:$0x680];
	v22 =	vmul.f32 $1.442695020e+00, v22  }
0xe2: {  	(erf) = vrcp.f32 v17  }
0xe3: {  	v44 =	vld [tilespmem:$0x670];
	v38 =	vadd.f32 $-5.000000000e-01, v33;
	(erf) = vpow2.f32 v22  }
0xe4: {  	v46 =	vadd.f32 $-5.000000000e-01, v41  }
0xe5: {  	v42 =	vsub.f32 $5.000000000e-01, v35;
	v21 =	vmul.f32 v15, v38;
	v40 =	vmul.f32 v36, v36  }
0xe6: {  	v51 =	vadd.f32 $-5.000000000e-01, v47;
	v55 =	vsub.f32 $5.000000000e-01, v49  }
0xe7: {  	v56 =	vld [tilespmem:$0x380];
	v21 =	vadd.f32 v21, v42;
	v16 =	vadd.f32 v40, v16  }
0xe8: {  	v23 =	vmul.f32 v14, v46;
	v48 =	vsub.f32 $5.000000000e-01, v44;
	v20 =	vsub.f32 v33, v35  }
0xe9: {  	v15 =	vmul.f32 $3.000000120e-01, v15;
	v21 =	vmul.f32 v21, v21;
	v16 =	vadd.f32 v16, v43  }
0xea: {  	v59 =	vld [tilespmem:$0x4A0];
	v50 =	vadd.f32 v23, v48;
	v60 =	vmul.f32 $3.000000120e-01, v13;
	v20 =	vand.u32 $0x7FFFFFFF, v20  }
0xeb: {  	v52 =	vld [tilespmem:$0x490];
	v15 =	vmul.f32 v15, v20;
	v19 =	vmul.f32 v13, v51;
	v16 =	vadd.f32 v21, v16;
	v13 =	vpop (erf)  }
0xec: {  	v62 =	vld [tilespmem:$0x6A0];
	v14 =	vmul.f32 $3.000000120e-01, v14;
	v23 =	vsub.f32 $0.0e+00, v56;
	v18 =	vsub.f32 v41, v44;
	v63 =	vpop (erf)  }
0xed: {  	v54 =	vld [tilespmem:$0x690];
	v53 =	vmul.f32 v50, v50;
	v15 =	vadd.f32 v16, v15;
	v29 =	vadd.f32 $1.000000000e+00, v63  }
0xee: {  	v57 =	vadd.f32 v19, v55;
	v18 =	vand.u32 $0x7FFFFFFF, v18;
	v30 =	vmul.f32 $1.442695020e+00, v23  }
0xef: {  	v14 =	vmul.f32 v14, v18;
	v15 =	vadd.f32 v53, v15;
	(erf) = vrcp.f32 v29  }
0xf0: {  	v58 =	vadd.f32 $-5.000000000e-01, v52;
	v31 =	vadd.f32 $-5.000000000e-01, v59;
	(erf) = vpow2.f32 v30  }
0xf1: {  	v16 =	vmul.f32 v57, v57;
	v14 =	vadd.f32 v15, v14;
	v17 =	vsub.f32 v47, v49  }
0xf2: {  	v33 =	vsub.f32 $5.000000000e-01, v62;
	v61 =	vsub.f32 $5.000000000e-01, v54;
	v15 =	vmul.f32 v12, v58  }
0xf3: {  	v14 =	vadd.f32 v16, v14;
	v16 =	vmul.f32 v11, v31;
	v17 =	vand.u32 $0x7FFFFFFF, v17  }
0xf4: {  	v38 =	vld [tilespmem:$0x390];
	v15 =	vadd.f32 v15, v61;
	v11 =	vmul.f32 $3.000000120e-01, v11;
	v28 =	vmul.f32 v60, v17  }
0xf5: {  	v20 =	vsub.f32 v52, v54;
	v36 =	vsub.f32 v59, v62  }
0xf6: {  	v12 =	vmul.f32 $3.000000120e-01, v12;
	v15 =	vmul.f32 v15, v15;
	v14 =	vadd.f32 v14, v28  }
0xf7: {  	v32 =	vld [tilespmem:$0x4B0];
	v20 =	vand.u32 $0x7FFFFFFF, v20;
	v35 =	vadd.f32 v16, v33;
	v16 =	vand.u32 $0x7FFFFFFF, v36  }
0xf8: {  	v12 =	vmul.f32 v12, v20;
	v42 =	vmul.f32 v11, v16;
	v14 =	vadd.f32 v15, v14;
	v11 =	vpop (erf)  }
0xf9: {  	v34 =	vld [tilespmem:$0x6B0];
	v19 =	vsub.f32 $0.0e+00, v38;
	v44 =	vpop (erf)  }
0xfa: {  	v46 =	vld [tilespmem:$0x4D0];
	v12 =	vadd.f32 v14, v12;
	v14 =	vadd.f32 $1.000000000e+00, v44  }
0xfb: {  	v48 =	vld [tilespmem:$0x6D0];
	v19 =	vmul.f32 $1.442695020e+00, v19  }
0xfc: {  	v37 =	vadd.f32 $-5.000000000e-01, v32;
	v40 =	vld [tilespmem:$0x4C0];
	(erf) = vrcp.f32 v14  }
0xfd: {  	(erf) = vpow2.f32 v19  }
0xfe: {  	v18 =	vmul.f32 v9, v37;
	v41 =	vsub.f32 $5.000000000e-01, v34;
	v43 =	vld [tilespmem:$0x6C0]  }
0xff: {  	v50 =	vadd.f32 $-5.000000000e-01, v46;
	v39 =	vmul.f32 v35, v35  }
0x100: {  	v54 =	vsub.f32 $5.000000000e-01, v48;
	v18 =	vadd.f32 v18, v41  }
0x101: {  	v55 =	vld [tilespmem:$0x3A0];
	v45 =	vadd.f32 $-5.000000000e-01, v40;
	v12 =	vadd.f32 v39, v12  }
0x102: {  	v9 =	vmul.f32 $3.000000120e-01, v9;
	v18 =	vmul.f32 v18, v18;
	v17 =	vsub.f32 v32, v34  }
0x103: {  	v20 =	vmul.f32 v8, v45;
	v47 =	vsub.f32 $5.000000000e-01, v43;
	v12 =	vadd.f32 v12, v42  }
0x104: {  	v51 =	vld [tilespmem:$0x4E0];
	v59 =	vmul.f32 $3.000000120e-01, v7;
	v16 =	vmul.f32 v7, v50;
	v17 =	vand.u32 $0x7FFFFFFF, v17  }
0x105: {  	v58 =	vld [tilespmem:$0x4F0];
	v49 =	vadd.f32 v20, v47;
	v9 =	vmul.f32 v9, v17;
	v12 =	vadd.f32 v18, v12;
	v7 =	vpop (erf)  }
0x106: {  	v53 =	vld [tilespmem:$0x6E0];
	v8 =	vmul.f32 $3.000000120e-01, v8;
	v20 =	vsub.f32 $0.0e+00, v55;
	v15 =	vsub.f32 v40, v43;
	v62 =	vpop (erf)  }
0x107: {  	v61 =	vld [tilespmem:$0x6F0];
	v52 =	vmul.f32 v49, v49;
	v9 =	vadd.f32 v12, v9;
	v23 =	vadd.f32 $1.000000000e+00, v62  }
0x108: {  	v56 =	vadd.f32 v16, v54;
	v24 =	vmul.f32 $1.442695020e+00, v20;
	v15 =	vand.u32 $0x7FFFFFFF, v15  }
0x109: {  	v8 =	vmul.f32 v8, v15;
	v9 =	vadd.f32 v52, v9;
	(erf) = vrcp.f32 v23  }
0x10a: {  	v57 =	vadd.f32 $-5.000000000e-01, v51;
	v25 =	vadd.f32 $-5.000000000e-01, v58;
	(erf) = vpow2.f32 v24  }
0x10b: {  	v12 =	vmul.f32 v56, v56;
	v8 =	vadd.f32 v9, v8;
	v14 =	vsub.f32 v46, v48  }
0x10c: {  	v60 =	vsub.f32 $5.000000000e-01, v53;
	v27 =	vsub.f32 $5.000000000e-01, v61;
	v9 =	vmul.f32 v5, v57  }
0x10d: {  	v8 =	vadd.f32 v12, v8;
	v12 =	vmul.f32 v4, v25;
	v14 =	vand.u32 $0x7FFFFFFF, v14  }
0x10e: {  	v32 =	vld [tilespmem:$0x3B0];
	v9 =	vadd.f32 v9, v60;
	v4 =	vmul.f32 $3.000000120e-01, v4;
	v63 =	vmul.f32 v59, v14  }
0x10f: {  	v17 =	vsub.f32 v51, v53;
	v30 =	vsub.f32 v58, v61  }
0x110: {  	v5 =	vmul.f32 $3.000000120e-01, v5;
	v9 =	vmul.f32 v9, v9;
	v8 =	vadd.f32 v8, v63  }
0x111: {  	v26 =	vld [tilespmem:$0x500];
	v17 =	vand.u32 $0x7FFFFFFF, v17;
	v29 =	vadd.f32 v12, v27;
	v12 =	vand.u32 $0x7FFFFFFF, v30  }
0x112: {  	v37 =	vld [tilespmem:$0x710];
	v5 =	vmul.f32 v5, v17;
	v36 =	vmul.f32 v4, v12;
	v8 =	vadd.f32 v9, v8;
	v4 =	vpop (erf)  }
0x113: {  	v45 =	vld [tilespmem:$0x530];
	v16 =	vsub.f32 $0.0e+00, v32;
	v38 =	vpop (erf)  }
0x114: {  	v34 =	vld [tilespmem:$0x510];
	v5 =	vadd.f32 v8, v5;
	v8 =	vadd.f32 $1.000000000e+00, v38  }
0x115: {  	v28 =	vld [tilespmem:$0x700];
	v16 =	vmul.f32 $1.442695020e+00, v16  }
0x116: {  	v47 =	vld [tilespmem:$0x730];
	(erf) = vrcp.f32 v8  }
0x117: {  	v31 =	vadd.f32 $-5.000000000e-01, v26;
	(erf) = vpow2.f32 v16  }
0x118: {  	v40 =	vld [tilespmem:$0x520]  }
0x119: {  	v41 =	vsub.f32 $5.000000000e-01, v37;
	v15 =	vmul.f32 v3, v31  }
0x11a: {  	v49 =	vld [tilespmem:$0x3C0];
	v35 =	vsub.f32 $5.000000000e-01, v28;
	v39 =	vadd.f32 $-5.000000000e-01, v34;
	v33 =	vmul.f32 v29, v29  }
0x11b: {  	v51 =	vadd.f32 $-5.000000000e-01, v45;
	v53 =	vmul.f32 $3.000000120e-01, v0;
	v54 =	vsub.f32 $5.000000000e-01, v47;
	v42 =	vld [tilespmem:$0x720]  }
0x11c: {  	v15 =	vadd.f32 v15, v35;
	v17 =	vmul.f32 v1, v39;
	v5 =	vadd.f32 v33, v5  }
0x11d: {  	v3 =	vmul.f32 $3.000000120e-01, v3;
	v44 =	vadd.f32 $-5.000000000e-01, v40;
	v14 =	vsub.f32 v26, v28  }
0x11e: {  	v15 =	vmul.f32 v15, v15;
	v43 =	vadd.f32 v17, v41;
	v5 =	vadd.f32 v5, v36  }
0x11f: {  	v17 =	vsub.f32 $0.0e+00, v49;
	v12 =	vmul.f32 v0, v44;
	v14 =	vand.u32 $0x7FFFFFFF, v14;
	v0 =	vpop (erf)  }
0x120: {  	v61 =	vld [tilespmem:$0x550];
	v48 =	vsub.f32 $5.000000000e-01, v42;
	v3 =	vmul.f32 v3, v14;
	v5 =	vadd.f32 v15, v5;
	v56 =	vpop (erf)  }
0x121: {  	v1 =	vmul.f32 $3.000000120e-01, v1;
	v9 =	vsub.f32 v34, v37;
	v58 =	vadd.f32 $1.000000000e+00, v56  }
0x122: {  	v46 =	vmul.f32 v43, v43;
	v59 =	vmul.f32 $1.442695020e+00, v17;
	v3 =	vadd.f32 v5, v3  }
0x123: {  	v50 =	vadd.f32 v12, v48;
	v9 =	vand.u32 $0x7FFFFFFF, v9;
	(erf) = vrcp.f32 v58  }
0x124: {  	v63 =	vld [tilespmem:$0x750];
	v1 =	vmul.f32 v1, v9;
	v3 =	vadd.f32 v46, v3;
	(erf) = vpow2.f32 v59  }
0x125: {  	v18 =	vadd.f32 $-5.000000000e-01, v61;
	v8 =	vsub.f32 v40, v42  }
0x126: {  	v5 =	vmul.f32 v50, v50;
	v1 =	vadd.f32 v3, v1;
	v3 =	vmul.f32 v2, v51  }
0x127: {  	v9 =	vmul.f32 v10, v18;
	v8 =	vand.u32 $0x7FFFFFFF, v8  }
0x128: {  	v19 =	vld [tilespmem:$0x3D0];
	v1 =	vadd.f32 v5, v1;
	v3 =	vadd.f32 v3, v54;
	v57 =	vmul.f32 v53, v8  }
0x129: {  	v14 =	vsub.f32 v45, v47;
	v23 =	vsub.f32 $5.000000000e-01, v63  }
0x12a: {  	v2 =	vmul.f32 $3.000000120e-01, v2;
	v3 =	vmul.f32 v3, v3;
	v1 =	vadd.f32 v1, v57  }
0x12b: {  	v14 =	vand.u32 $0x7FFFFFFF, v14  }
0x12c: {  	v26 =	vadd.f32 v9, v23;
	v2 =	vmul.f32 v2, v14;
	v1 =	vadd.f32 v3, v1;
	v9 =	vpop (erf)  }
0x12d: {  	v12 =	vsub.f32 $0.0e+00, v19;
	v27 =	vpop (erf)  }
0x12e: {  	v52 =	vld [tilespmem:$0x540];
	v1 =	vadd.f32 v1, v2;
	v2 =	vadd.f32 $1.000000000e+00, v27  }
0x12f: {  	v12 =	vmul.f32 $1.442695020e+00, v12  }
0x130: {  	v55 =	vld [tilespmem:$0x740];
	(erf) = vrcp.f32 v2  }
0x131: {  	(erf) = vpow2.f32 v12  }
0x132: {  	v25 =	vld [tilespmem:$0x760]  }
0x133: {  	v22 =	vld [tilespmem:$0x560];
	v60 =	vadd.f32 $-5.000000000e-01, v52  }
0x134: {  	v29 =	vld [tilespmem:$0x570]  }
0x135: {  	v39 =	vld [tilespmem:$0x3E0];
	v62 =	vsub.f32 $5.000000000e-01, v55;
	v5 =	vmul.f32 v6, v60;
	_ =	sdelay $0x1  }
0x136: {  	v21 =	vmul.f32 $3.000000120e-01, v6;
	v44 =	vld [tilespmem:$0x590];
	v30 =	vsub.f32 $5.000000000e-01, v25;
	v16 =	vadd.f32 v5, v62  }
0x137: {  	v17 =	vsub.f32 v52, v55;
	v28 =	vadd.f32 $-5.000000000e-01, v22;
	v37 =	vmul.f32 $3.000000120e-01, v13  }
0x138: {  	v34 =	vadd.f32 $-5.000000000e-01, v29;
	v10 =	vmul.f32 $3.000000120e-01, v10;
	v36 =	vld [tilespmem:$0x580];
	v20 =	vmul.f32 v16, v16;
	v45 =	vpop (erf)  }
0x139: {  	v14 =	vmul.f32 v13, v28;
	v13 =	vsub.f32 $0.0e+00, v39;
	v5 =	vand.u32 $0x7FFFFFFF, v17;
	v46 =	vpop (erf)  }
0x13a: {  	v31 =	vld [tilespmem:$0x770];
	v24 =	vmul.f32 v21, v5;
	v1 =	vadd.f32 v20, v1;
	v12 =	vadd.f32 $1.000000000e+00, v46  }
0x13b: {  	v50 =	vadd.f32 $-5.000000000e-01, v44;
	v49 =	vmul.f32 $1.442695020e+00, v13;
	v8 =	vsub.f32 v61, v63  }
0x13c: {  	v51 =	vld [tilespmem:$0x5A0];
	v5 =	vmul.f32 v26, v26;
	v1 =	vadd.f32 v1, v24;
	(erf) = vrcp.f32 v12  }
0x13d: {  	v43 =	vadd.f32 $-5.000000000e-01, v36;
	v8 =	vand.u32 $0x7FFFFFFF, v8;
	(erf) = vpow2.f32 v49  }
0x13e: {  	v33 =	vadd.f32 v14, v30;
	v40 =	vld [tilespmem:$0x780];
	v32 =	vmul.f32 v10, v8;
	v1 =	vadd.f32 v5, v1  }
0x13f: {  	v38 =	vsub.f32 $5.000000000e-01, v31;
	v3 =	vsub.f32 v22, v25  }
0x140: {  	v60 =	vld [tilespmem:$0x3F0];
	v35 =	vmul.f32 v33, v33;
	v10 =	vmul.f32 v11, v34;
	v1 =	vadd.f32 v1, v32  }
0x141: {  	v54 =	vmul.f32 $3.000000120e-01, v7;
	v62 =	vadd.f32 $-5.000000000e-01, v51;
	v3 =	vand.u32 $0x7FFFFFFF, v3  }
0x142: {  	v48 =	vld [tilespmem:$0x790];
	v41 =	vadd.f32 v10, v38;
	v3 =	vmul.f32 v37, v3;
	v1 =	vadd.f32 v35, v1  }
0x143: {  	v47 =	vsub.f32 $5.000000000e-01, v40;
	v11 =	vmul.f32 $3.000000120e-01, v11;
	v2 =	vsub.f32 v29, v31  }
0x144: {  	v42 =	vmul.f32 v41, v41;
	v5 =	vmul.f32 v7, v43;
	v1 =	vadd.f32 v1, v3  }
0x145: {  	v6 =	vsub.f32 $0.0e+00, v60;
	v53 =	vsub.f32 v36, v40;
	v2 =	vand.u32 $0x7FFFFFFF, v2;
	v17 =	vpop (erf)  }
0x146: {  	v5 =	vadd.f32 v5, v47;
	v1 =	vadd.f32 v42, v1;
	v2 =	vmul.f32 v11, v2;
	v18 =	vpop (erf)  }
0x147: {  	v55 =	vmul.f32 v4, v50;
	v57 =	vld [tilespmem:$0x7A0];
	v56 =	vsub.f32 $5.000000000e-01, v48;
	v19 =	vadd.f32 $1.000000000e+00, v18  }
0x148: {  	v13 =	vld [tilespmem:$0x5B0];
	v6 =	vmul.f32 $1.442695020e+00, v6;
	v52 =	vmul.f32 v5, v5;
	v1 =	vadd.f32 v1, v2  }
0x149: {  	v59 =	vadd.f32 v55, v56;
	v5 =	vand.u32 $0x7FFFFFFF, v53;
	(erf) = vrcp.f32 v19  }
0x14a: {  	v16 =	vld [tilespmem:$0x7B0];
	v58 =	vmul.f32 v54, v5;
	v1 =	vadd.f32 v52, v1;
	(erf) = vpow2.f32 v6  }
0x14b: {  	v4 =	vmul.f32 $3.000000120e-01, v4;
	v61 =	vsub.f32 v44, v48;
	v8 =	vmul.f32 v0, v62  }
0x14c: {  	v23 =	vld [tilespmem:$0x5C0];
	v14 =	vsub.f32 $5.000000000e-01, v57;
	v63 =	vmul.f32 v59, v59;
	v1 =	vadd.f32 v1, v58  }
0x14d: {  	v20 =	vadd.f32 $-5.000000000e-01, v13;
	v7 =	vand.u32 $0x7FFFFFFF, v61  }
0x14e: {  	v8 =	vadd.f32 v8, v14;
	v24 =	vld [tilespmem:$0x7C0];
	v15 =	vmul.f32 v4, v7;
	v1 =	vadd.f32 v63, v1  }
0x14f: {  	v22 =	vsub.f32 $5.000000000e-01, v16;
	v0 =	vmul.f32 $3.000000120e-01, v0;
	v3 =	vsub.f32 v51, v57  }
0x150: {  	v8 =	vmul.f32 v8, v8;
	v21 =	vmul.f32 v9, v20;
	v29 =	vld [tilespmem:$0x5D0];
	v1 =	vadd.f32 v1, v15  }
0x151: {  	v28 =	vadd.f32 $-5.000000000e-01, v23;
	v26 =	vsub.f32 v13, v16;
	v3 =	vand.u32 $0x7FFFFFFF, v3  }
0x152: {  	v33 =	vld [tilespmem:$0x7D0];
	v0 =	vmul.f32 v0, v3;
	v2 =	vadd.f32 v21, v22;
	v1 =	vadd.f32 v8, v1;
	v34 =	vpop (erf)  }
0x153: {  	v32 =	vsub.f32 $5.000000000e-01, v24;
	v27 =	vmul.f32 $3.000000120e-01, v9;
	v31 =	vmul.f32 v45, v28;
	v36 =	vpop (erf)  }
0x154: {  	v38 =	vld [tilespmem:$0x5E0];
	v25 =	vmul.f32 v2, v2;
	v0 =	vadd.f32 v1, v0;
	v2 =	vadd.f32 $1.000000000e+00, v36  }
0x155: {  	v30 =	vand.u32 $0x7FFFFFFF, v26;
	v37 =	vadd.f32 $-5.000000000e-01, v29;
	v35 =	vadd.f32 v31, v32  }
0x156: {  	v40 =	vld [tilespmem:$0x7E0];
	v1 =	vmul.f32 v27, v30;
	v0 =	vadd.f32 v25, v0;
	(erf) = vrcp.f32 v2  }
0x157: {  	v39 =	vsub.f32 $5.000000000e-01, v33;
	v3 =	vsub.f32 v23, v24;
	v10 =	vmul.f32 $3.000000120e-01, v45  }
0x158: {  	v44 =	vld [tilespmem:$0x5F0];
	v0 =	vadd.f32 v0, v1;
	v1 =	vmul.f32 v35, v35;
	v4 =	vmul.f32 v17, v37  }
0x159: {  	v43 =	vadd.f32 $-5.000000000e-01, v38;
	v3 =	vand.u32 $0x7FFFFFFF, v3  }
0x15a: {  	v41 =	vmul.f32 v10, v3;
	v49 =	vld [tilespmem:$0x7F0];
	v0 =	vadd.f32 v1, v0;
	v42 =	vadd.f32 v4, v39  }
0x15b: {  	v48 =	vsub.f32 $5.000000000e-01, v40;
	v46 =	vsub.f32 v29, v33;
	v47 =	vmul.f32 $3.000000120e-01, v17  }
0x15c: {  	v0 =	vadd.f32 v0, v41;
	v45 =	vmul.f32 v42, v42;
	v4 =	vmul.f32 v34, v43  }
0x15d: {  	v52 =	vadd.f32 $-5.000000000e-01, v44;
	v3 =	vand.u32 $0x7FFFFFFF, v46  }
0x15e: {  	v50 =	vmul.f32 v47, v3;
	v0 =	vadd.f32 v45, v0;
	v51 =	vadd.f32 v4, v48  }
0x15f: {  	v56 =	vsub.f32 $5.000000000e-01, v49;
	v55 =	vmul.f32 $3.000000120e-01, v34;
	v2 =	vsub.f32 v38, v40;
	v54 =	vpop (erf)  }
0x160: {  	v0 =	vadd.f32 v0, v50;
	v53 =	vmul.f32 v51, v51;
	v4 =	vmul.f32 v54, v52  }
0x161: {  	v2 =	vand.u32 $0x7FFFFFFF, v2  }
0x162: {  	v0 =	vadd.f32 v53, v0;
	v57 =	vmul.f32 v55, v2;
	v58 =	vadd.f32 v4, v56  }
0x163: {  	v59 =	vsub.f32 v44, v49  }
0x164: {  	v0 =	vadd.f32 v0, v57;
	v61 =	vmul.f32 $3.000000120e-01, v54;
	v60 =	vmul.f32 v58, v58  }
0x165: {  	v62 =	vand.u32 $0x7FFFFFFF, v59  }
0x166: {  	v63 =	vmul.f32 v61, v62;
	v0 =	vadd.f32 v60, v0;
	_ =	sdelay $0x1  }
0x167: {  	v0 =	vadd.f32 v0, v63  }
0x168: {  	p0 =	sne.s32 s8, $0x1  }
.Ltmp0:
0x169: {  	[tilespmem:$0x800] =	vst v0;
	(pc) =	sbr.rel @p0 .LBB2_1-.Ltmp0, $4  }
0x16a: {  	[hbm4b:s7+s3] =	stream.linear.scatter [tilespmem:s20], [sflag:$0x2], $0x80, $0x38;
	[tilespmem:$0x880] =	vst v63  }
0x16b: {  	_ =	swait.ge [sflag:s9], $0x80  }
0x16c: {  	[sflag:s9] =	ssyncset.done $0x0  }
0x16d: {  	s8 =	sadd.s32 $0xFFFFFFFF, s8;
	[sflag:s9] =	ssyncadd.s32 $0xFFFFFF80  }
0x16e: {  	_ =	sfence.sel $0x180000  }
0x16f: {  	[bflag:$0x0] =	sbarrier.arrive $0xFFFF  }
0x170: {  	p0 =	sne.s32 s0, $0x0;
	_ =	strace $0x90000047  }
0x171: {  	s0 =	sadd.s32 @!p0 $0x100000, s1;
	[bflag:$0x2] =	sbarrier.arrive $0xFFFF  }
0x172: {  	[sflag:s0] =	ssyncadd.tile.s32 @!p0 $0x1;
	_ =	shalt  }
.Lfunc_end2:
_tile_overlayer_lowered:
.L_overlay_start_2:
0x173: {  	(tag) =	ssettag $0x2  }
0x174: {  	s0 =	rddreg [dreg:$0x0];
	s2 =	stileid.u32  }
0x175: {  	s1 =	rddreg [dreg:$0x1];
	p0 =	sne.s32 s2, $0x0  }
0x176: {  	s3 =	rddreg [dreg:$0x2];
	[bflag:$0x3] =	sbarrier.arrive $0xFFFF;
	s2 =	simm.s32 @!p0 $0x1C02  }
0x177: {  	[timem:s3], [sflag:s2] =	dma.local @!p0 [hbm:s0], s1  }
0x178: {  	s0 =	simm.s32 @!p0 $0x2  }
0x179: {  	_ =	swait.ge @!p0 [sflag:s0], s1  }
0x17a: {  	s1 =	ssub.s32 @!p0 $0x0, s1;
	[sflag:s0] =	ssyncset.done @!p0 $0x0  }
0x17b: {  	[sflag:s0] =	ssyncadd.s32 @!p0 s1  }
0x17c: {  	[bflag:$0x3] =	sbarrier.arrive $0xFFFF  }
0x17d: {  	_ =	shalt  }

</sc_bundles>
